<compile_context>
chip_gen: v7x
topology: tpu7x:2x2x1
jax: 0.10.2.dev20260603
libtpu: 0.0.44.dev20260713+nightly
codegen_flags: <defaults>
</compile_context>

<pallas_src>
import functools

import jax
import jax.numpy as jnp
from jax import lax
from jax.experimental import pallas as pl
from jax.experimental.pallas import tpu as pltpu
from jax.experimental.pallas import tpu_sc as plsc

N = 10000
E = 320000
F = 128
EPS = 1e-5

NC = 2
NS = 16
NW = NC * NS
EDGES_PER_W = E // NW
CHUNK = 80
NCHUNK = EDGES_PER_W // CHUNK
N_PAD = 10240
ROWS_PER_TILE = N_PAD // NS


def _mesh():
    return plsc.VectorSubcoreMesh(core_axis_name="c", subcore_axis_name="s")


@functools.partial(
    pl.kernel,
    out_type=jax.ShapeDtypeStruct((NC * N_PAD, F), jnp.float32),
    mesh=_mesh(),
    scratch_types=[
        pltpu.VMEM((NCHUNK, CHUNK), jnp.int32),
        pltpu.VMEM((CHUNK, F), jnp.float32),
        pltpu.VMEM_SHARED((N_PAD, F), jnp.float32),
    ],
)
def _sc_degree(dst_hbm, zeros_hbm, ones_hbm, out_hbm, dst_v, ones_v,
               shared_deg):
    c = lax.axis_index("c")
    s = lax.axis_index("s")
    wid = c * NS + s

    pltpu.sync_copy(
        zeros_hbm.at[pl.ds(s * ROWS_PER_TILE, ROWS_PER_TILE)],
        shared_deg.at[pl.ds(s * ROWS_PER_TILE, ROWS_PER_TILE)],
    )
    pltpu.sync_copy(ones_hbm, ones_v)
    pltpu.sync_copy(dst_hbm.at[wid], dst_v)
    plsc.subcore_barrier()

    def body(i, carry):
        pltpu.sync_copy(ones_v, shared_deg.at[dst_v.at[i]], add=True)
        return carry

    lax.fori_loop(0, NCHUNK, body, 0)
    plsc.subcore_barrier()

    pltpu.sync_copy(
        shared_deg.at[pl.ds(s * ROWS_PER_TILE, ROWS_PER_TILE)],
        out_hbm.at[pl.ds(c * N_PAD + s * ROWS_PER_TILE, ROWS_PER_TILE)],
    )


@functools.partial(
    pl.kernel,
    out_type=jax.ShapeDtypeStruct((NC * N_PAD, F), jnp.float32),
    mesh=_mesh(),
    scratch_types=[
        pltpu.VMEM(((NCHUNK + 1) * CHUNK,), jnp.int32),
        pltpu.VMEM((NCHUNK, CHUNK), jnp.int32),
        pltpu.VMEM((CHUNK, F), jnp.float32),
        pltpu.VMEM((CHUNK, F), jnp.float32),
        pltpu.VMEM_SHARED((N_PAD, F), jnp.float32),
        pltpu.SemaphoreType.DMA,
        pltpu.SemaphoreType.DMA,
        pltpu.SemaphoreType.DMA,
        pltpu.SemaphoreType.DMA,
    ],
)
def _sc_agg(h_hbm, src_hbm, dst_hbm, zeros_hbm, out_hbm,
            src_v, dst_v, rows_a, rows_b, shared_agg, sem_a, sem_b,
            ssem_a, ssem_b):
    c = lax.axis_index("c")
    s = lax.axis_index("s")
    wid = c * NS + s

    pltpu.sync_copy(
        zeros_hbm.at[pl.ds(s * ROWS_PER_TILE, ROWS_PER_TILE)],
        shared_agg.at[pl.ds(s * ROWS_PER_TILE, ROWS_PER_TILE)],
    )
    pltpu.sync_copy(src_hbm.at[pl.ds(wid * (NCHUNK + 1) * CHUNK,
                                     (NCHUNK + 1) * CHUNK)], src_v)
    pltpu.sync_copy(dst_hbm.at[wid], dst_v)
    plsc.subcore_barrier()

    pltpu.async_copy(h_hbm.at[src_v.at[pl.ds(0, CHUNK)]], rows_a, sem_a)

    def step(i, rows_cur, sem_cur, ssem_cur, rows_nxt, sem_nxt, ssem_nxt):
        pltpu.make_async_copy(h_hbm.at[src_v.at[pl.ds(i * CHUNK, CHUNK)]],
                              rows_cur, sem_cur).wait()

        @pl.when(i >= 1)
        def _():
            pltpu.make_async_copy(rows_nxt, shared_agg.at[dst_v.at[i - 1]],
                                  ssem_nxt).wait()

        pltpu.async_copy(h_hbm.at[src_v.at[pl.ds((i + 1) * CHUNK, CHUNK)]],
                         rows_nxt, sem_nxt, priority=1)
        pltpu.async_copy(rows_cur, shared_agg.at[dst_v.at[i]], ssem_cur,
                         add=True)

    def body(i, carry):
        @pl.when(i % 2 == 0)
        def _():
            step(i, rows_a, sem_a, ssem_a, rows_b, sem_b, ssem_b)

        @pl.when(i % 2 == 1)
        def _():
            step(i, rows_b, sem_b, ssem_b, rows_a, sem_a, ssem_a)

        return carry

    lax.fori_loop(0, NCHUNK, body, 0)
    rows_l, ssem_l = (rows_a, ssem_a) if (NCHUNK - 1) % 2 == 0 else (rows_b, ssem_b)
    pltpu.make_async_copy(rows_l, shared_agg.at[dst_v.at[NCHUNK - 1]],
                          ssem_l).wait()
    rows_d, sem_d = (rows_a, sem_a) if NCHUNK % 2 == 0 else (rows_b, sem_b)
    pltpu.make_async_copy(h_hbm.at[src_v.at[pl.ds(NCHUNK * CHUNK, CHUNK)]],
                          rows_d, sem_d).wait()
    plsc.subcore_barrier()

    pltpu.sync_copy(
        shared_agg.at[pl.ds(s * ROWS_PER_TILE, ROWS_PER_TILE)],
        out_hbm.at[pl.ds(c * N_PAD + s * ROWS_PER_TILE, ROWS_PER_TILE)],
    )


def _tc_dense_bn(h, agg2, deg2, w_self, w_neigh, b, gamma, beta):
    def body(h_ref, agg_ref, deg_ref, ws_ref, wn_ref, b_ref, g_ref, be_ref,
             o_ref):
        deg = deg_ref[0:N, :] + deg_ref[N_PAD:N_PAD + N, :]
        agg = agg_ref[0:N, :] + agg_ref[N_PAD:N_PAD + N, :]
        hn = agg / jnp.maximum(deg, 1.0)
        z = (jnp.dot(h_ref[...], ws_ref[...], preferred_element_type=jnp.float32)
             + jnp.dot(hn, wn_ref[...], preferred_element_type=jnp.float32)
             + b_ref[...])
        mu = jnp.mean(z, axis=0, keepdims=True)
        var = jnp.mean((z - mu) ** 2, axis=0, keepdims=True)
        z = (z - mu) * lax.rsqrt(var + EPS) * g_ref[...] + be_ref[...]
        o_ref[...] = jnp.maximum(z, 0.0)

    return pl.pallas_call(
        body,
        out_shape=jax.ShapeDtypeStruct((N, F), jnp.float32),
    )(h, agg2, deg2, w_self, w_neigh, b.reshape(1, F), gamma.reshape(1, F),
      beta.reshape(1, F))


def _tc_dense(h, agg2, deg2, w_self, w_neigh, b):
    def body(h_ref, agg_ref, deg_ref, ws_ref, wn_ref, b_ref, o_ref):
        deg = deg_ref[0:N, :] + deg_ref[N_PAD:N_PAD + N, :]
        agg = agg_ref[0:N, :] + agg_ref[N_PAD:N_PAD + N, :]
        hn = agg / jnp.maximum(deg, 1.0)
        o_ref[...] = (
            jnp.dot(h_ref[...], ws_ref[...], preferred_element_type=jnp.float32)
            + jnp.dot(hn, wn_ref[...], preferred_element_type=jnp.float32)
            + b_ref[...])

    return pl.pallas_call(
        body,
        out_shape=jax.ShapeDtypeStruct((N, F), jnp.float32),
    )(h, agg2, deg2, w_self, w_neigh, b.reshape(1, F))


def kernel(x, edge_index, W_self1, W_neigh1, b1, gamma1, beta1,
           W_self2, W_neigh2, b2, gamma2, beta2,
           W_self3, W_neigh3, b3):
    src3 = edge_index[0].reshape(NW, NCHUNK, CHUNK)
    src3 = jnp.concatenate([src3, src3[:, :1, :]], axis=1).reshape(-1)
    dst3 = edge_index[1].reshape(NW, NCHUNK, CHUNK)
    zeros_nf = jnp.zeros((N_PAD, F), jnp.float32)
    ones_cf = jnp.ones((CHUNK, F), jnp.float32)

    deg2 = _sc_degree(dst3, zeros_nf, ones_cf)[:, 0:1]
    agg2 = _sc_agg(x, src3, dst3, zeros_nf)
    h = _tc_dense_bn(x, agg2, deg2, W_self1, W_neigh1, b1, gamma1, beta1)
    agg2 = _sc_agg(h, src3, dst3, zeros_nf)
    h = _tc_dense_bn(h, agg2, deg2, W_self2, W_neigh2, b2, gamma2, beta2)
    agg2 = _sc_agg(h, src3, dst3, zeros_nf)
    h = _tc_dense(h, agg2, deg2, W_self3, W_neigh3, b3)
    return h

# --- scband reference (transcript-rebuilt; emitter-appended) ---
"""Pipeline reference for scband-sage-5188320493994 (READ-ONLY COPY).

The authoritative reference and input builder live on the scoring server;
editing this copy changes nothing except your own understanding.
"""

import jax, jax.numpy as jnp
import numpy as np

N = 10000
E = 320000
D = 128
H = 128
O = 128
EPS = 1e-5


def setup_inputs(seed: int = 0) -> dict:
    key = jax.random.key(seed)
    ks = jax.random.split(key, 16)
    x = jax.random.normal(ks[0], (N, D), dtype=jnp.float32)
    edge_index = jax.random.randint(ks[1], (2, E), 0, N, dtype=jnp.int32)

    def p(k, shape):
        return (jax.random.normal(k, shape, dtype=jnp.float32) * 0.05).astype(jnp.float32)

    inp = {
        'x': x,
        'edge_index': edge_index,
        'W_self1': p(ks[2], (D, H)), 'W_neigh1': p(ks[3], (D, H)), 'b1': jnp.zeros((H,), jnp.float32),
        'gamma1': jnp.ones((H,), jnp.float32), 'beta1': jnp.zeros((H,), jnp.float32),
        'W_self2': p(ks[4], (H, H)), 'W_neigh2': p(ks[5], (H, H)), 'b2': jnp.zeros((H,), jnp.float32),
        'gamma2': jnp.ones((H,), jnp.float32), 'beta2': jnp.zeros((H,), jnp.float32),
        'W_self3': p(ks[6], (H, O)), 'W_neigh3': p(ks[7], (H, O)), 'b3': jnp.zeros((O,), jnp.float32),
    }
    return inp


def _sage_conv(h, src, dst, W_self, W_neigh, b):
    # DGL SAGEConv with 'mean' aggregator: h_out = h @ W_self + mean_neigh(h) @ W_neigh + b
    msg = h[src]                                              # gather (memory-bound)
    agg = jax.ops.segment_sum(msg, dst, num_segments=N)       # scatter-add
    deg = jax.ops.segment_sum(jnp.ones((dst.shape[0],), h.dtype), dst, num_segments=N)
    h_neigh = agg / jnp.clip(deg, 1.0, None)[:, None]
    return h @ W_self + h_neigh @ W_neigh + b


def _batchnorm(h, gamma, beta):
    mu = h.mean(axis=0)
    var = ((h - mu) ** 2).mean(axis=0)
    return (h - mu) / jnp.sqrt(var + EPS) * gamma + beta


def reference(x, edge_index, W_self1, W_neigh1, b1, gamma1, beta1,
              W_self2, W_neigh2, b2, gamma2, beta2,
              W_self3, W_neigh3, b3):
    src = edge_index[0]
    dst = edge_index[1]
    h = _sage_conv(x, src, dst, W_self1, W_neigh1, b1)
    h = _batchnorm(h, gamma1, beta1)
    h = jax.nn.relu(h)
    # dropout p=0.0 -> identity
    h = _sage_conv(h, src, dst, W_self2, W_neigh2, b2)
    h = _batchnorm(h, gamma2, beta2)
    h = jax.nn.relu(h)
    h = _sage_conv(h, src, dst, W_self3, W_neigh3, b3)
    return h

if __name__ == "__main__":
    import jax
    _d = setup_inputs()
    print(jax.jit(kernel)(*tuple(_d.values())))

</pallas_src>

<mosaic_0001>
#map = affine_map<(d0, d1) -> (0, 0)>
#map1 = affine_map<(d0, d1) -> (0)>
#map2 = affine_map<(d0, d1) -> (0, 0, 0)>
module attributes {stable_mosaic.version = 14 : i64} {
  func.func @_sc_agg(%arg0: i32, %arg1: i32, %arg2: memref<10000x128xf32, #tpu.memory_space<hbm>>, %arg3: memref<322560xi32, #tpu.memory_space<hbm>>, %arg4: memref<32x125x80xi32, #tpu.memory_space<hbm>>, %arg5: memref<10240x128xf32, #tpu.memory_space<hbm>>, %arg6: memref<20480x128xf32, #tpu.memory_space<hbm>>, %arg7: memref<10080xi32, #tpu.memory_space<vmem>>, %arg8: memref<125x80xi32, #tpu.memory_space<vmem>>, %arg9: memref<80x128xf32, #tpu.memory_space<vmem>>, %arg10: memref<80x128xf32, #tpu.memory_space<vmem>>, %arg11: memref<10240x128xf32, #tpu.memory_space<vmem_shared>>, %arg12: memref<!tpu.dma_semaphore, #tpu.memory_space<semaphore_mem>>, %arg13: memref<!tpu.dma_semaphore, #tpu.memory_space<semaphore_mem>>, %arg14: memref<!tpu.dma_semaphore, #tpu.memory_space<semaphore_mem>>, %arg15: memref<!tpu.dma_semaphore, #tpu.memory_space<semaphore_mem>>) attributes {dimension_semantics = [#tpu.dimension_semantics<core_parallel>, #tpu.dimension_semantics<subcore_parallel>], iteration_bounds = array<i64: 2, 16>, scalar_prefetch = 0 : i64, scratch_operands = 9 : i64, tpu.core_type = #tpu.core_type<sc_vector_subcore>, window_params = [{transform_indices = #map}, {transform_indices = #map1}, {transform_indices = #map2}, {transform_indices = #map}, {transform_indices = #map}]} {
    %mul3A = arith.constant 16 : i32
    %mul3A_0 = arith.muli %arg0, %mul3A : i32
    %add3A = arith.addi %mul3A_0, %arg1 : i32
    %mul3A_1 = arith.constant 640 : i32
    %mul3A_2 = arith.muli %arg1, %mul3A_1 : i32
    %mul3A_3 = arith.constant 640 : i32
    %mul3A_4 = arith.muli %arg1, %mul3A_3 : i32
    "tpu.region"() ({
      %run_scoped3A = tpu.sem_alloc : memref<!tpu.dma_semaphore, #tpu.memory_space<semaphore_mem>>
      %dma_start3A_37 = arith.constant 0 : i32
      %dma_start3A_38 = tpu.memref_slice %arg11[%mul3A_4, %dma_start3A_37] : memref<10240x128xf32, #tpu.memory_space<vmem_shared>> -> memref<640x128xf32, #tpu.memory_space<vmem_shared>>
      %dma_start3A_39 = arith.constant 0 : i32
      %dma_start3A_40 = tpu.memref_slice %arg5[%mul3A_2, %dma_start3A_39] : memref<10240x128xf32, #tpu.memory_space<hbm>> -> memref<640x128xf32, #tpu.memory_space<hbm>>
      tpu.enqueue_dma source(%dma_start3A_40 : memref<640x128xf32, #tpu.memory_space<hbm>>) target(%dma_start3A_38 : memref<640x128xf32, #tpu.memory_space<vmem_shared>>) target_semaphore(%run_scoped3A : memref<!tpu.dma_semaphore, #tpu.memory_space<semaphore_mem>>)
      %dma_wait3A_41 = arith.constant 0 : i32
      %dma_wait3A_42 = tpu.memref_slice %arg11[%mul3A_4, %dma_wait3A_41] : memref<10240x128xf32, #tpu.memory_space<vmem_shared>> -> memref<640x128xf32, #tpu.memory_space<vmem_shared>>
      %dma_wait3A_43 = arith.constant 0 : i32
      %dma_wait3A_44 = tpu.memref_slice %arg5[%mul3A_2, %dma_wait3A_43] : memref<10240x128xf32, #tpu.memory_space<hbm>> -> memref<640x128xf32, #tpu.memory_space<hbm>>
      tpu.wait_dma2 semaphore(%run_scoped3A : memref<!tpu.dma_semaphore, #tpu.memory_space<semaphore_mem>>) src(%dma_wait3A_44 : memref<640x128xf32, #tpu.memory_space<hbm>>) dst(%dma_wait3A_42 : memref<640x128xf32, #tpu.memory_space<vmem_shared>>)
      tpu.yield
    }) : () -> ()
    %mul3A_5 = arith.constant 126 : i32
    %mul3A_6 = arith.muli %add3A, %mul3A_5 : i32
    %mul3A_7 = arith.constant 80 : i32
    %mul3A_8 = arith.muli %mul3A_6, %mul3A_7 : i32
    "tpu.region"() ({
      %run_scoped3A = tpu.sem_alloc : memref<!tpu.dma_semaphore, #tpu.memory_space<semaphore_mem>>
      %dma_start3A_37 = tpu.memref_slice %arg3[%mul3A_8] : memref<322560xi32, #tpu.memory_space<hbm>> -> memref<10080xi32, #tpu.memory_space<hbm>>
      %dma_start3A_38 = tpu.memref_slice %arg3[%mul3A_8] : memref<322560xi32, #tpu.memory_space<hbm>> -> memref<10080xi32, #tpu.memory_space<hbm>>
      tpu.enqueue_dma source(%dma_start3A_38 : memref<10080xi32, #tpu.memory_space<hbm>>) target(%arg7 : memref<10080xi32, #tpu.memory_space<vmem>>) target_semaphore(%run_scoped3A : memref<!tpu.dma_semaphore, #tpu.memory_space<semaphore_mem>>)
      %dma_wait3A_39 = tpu.memref_slice %arg3[%mul3A_8] : memref<322560xi32, #tpu.memory_space<hbm>> -> memref<10080xi32, #tpu.memory_space<hbm>>
      %dma_wait3A_40 = tpu.memref_slice %arg3[%mul3A_8] : memref<322560xi32, #tpu.memory_space<hbm>> -> memref<10080xi32, #tpu.memory_space<hbm>>
      tpu.wait_dma2 semaphore(%run_scoped3A : memref<!tpu.dma_semaphore, #tpu.memory_space<semaphore_mem>>) src(%dma_wait3A_40 : memref<10080xi32, #tpu.memory_space<hbm>>) dst(%arg7 : memref<10080xi32, #tpu.memory_space<vmem>>)
      tpu.yield
    }) : () -> ()
    "tpu.region"() ({
      %run_scoped3A = tpu.sem_alloc : memref<!tpu.dma_semaphore, #tpu.memory_space<semaphore_mem>>
      %dma_start3A_37 = arith.constant 0 : i32
      %dma_start3A_38 = arith.constant 0 : i32
      %dma_start3A_39 = tpu.memref_slice %arg4[%add3A, %dma_start3A_37, %dma_start3A_38] : memref<32x125x80xi32, #tpu.memory_space<hbm>> -> memref<1x125x80xi32, #tpu.memory_space<hbm>>
      %dma_start3A_40 = tpu.memref_squeeze %dma_start3A_39 : memref<1x125x80xi32, #tpu.memory_space<hbm>> -> memref<125x80xi32, #tpu.memory_space<hbm>>
      %dma_start3A_41 = arith.constant 0 : i32
      %dma_start3A_42 = arith.constant 0 : i32
      %dma_start3A_43 = tpu.memref_slice %arg4[%add3A, %dma_start3A_41, %dma_start3A_42] : memref<32x125x80xi32, #tpu.memory_space<hbm>> -> memref<1x125x80xi32, #tpu.memory_space<hbm>>
      %dma_start3A_44 = tpu.memref_squeeze %dma_start3A_43 : memref<1x125x80xi32, #tpu.memory_space<hbm>> -> memref<125x80xi32, #tpu.memory_space<hbm>>
      tpu.enqueue_dma source(%dma_start3A_44 : memref<125x80xi32, #tpu.memory_space<hbm>>) target(%arg8 : memref<125x80xi32, #tpu.memory_space<vmem>>) target_semaphore(%run_scoped3A : memref<!tpu.dma_semaphore, #tpu.memory_space<semaphore_mem>>)
      %dma_wait3A_45 = arith.constant 0 : i32
      %dma_wait3A_46 = arith.constant 0 : i32
      %dma_wait3A_47 = tpu.memref_slice %arg4[%add3A, %dma_wait3A_45, %dma_wait3A_46] : memref<32x125x80xi32, #tpu.memory_space<hbm>> -> memref<1x125x80xi32, #tpu.memory_space<hbm>>
      %dma_wait3A_48 = tpu.memref_squeeze %dma_wait3A_47 : memref<1x125x80xi32, #tpu.memory_space<hbm>> -> memref<125x80xi32, #tpu.memory_space<hbm>>
      %dma_wait3A_49 = arith.constant 0 : i32
      %dma_wait3A_50 = arith.constant 0 : i32
      %dma_wait3A_51 = tpu.memref_slice %arg4[%add3A, %dma_wait3A_49, %dma_wait3A_50] : memref<32x125x80xi32, #tpu.memory_space<hbm>> -> memref<1x125x80xi32, #tpu.memory_space<hbm>>
      %dma_wait3A_52 = tpu.memref_squeeze %dma_wait3A_51 : memref<1x125x80xi32, #tpu.memory_space<hbm>> -> memref<125x80xi32, #tpu.memory_space<hbm>>
      tpu.wait_dma2 semaphore(%run_scoped3A : memref<!tpu.dma_semaphore, #tpu.memory_space<semaphore_mem>>) src(%dma_wait3A_52 : memref<125x80xi32, #tpu.memory_space<hbm>>) dst(%arg8 : memref<125x80xi32, #tpu.memory_space<vmem>>)
      tpu.yield
    }) : () -> ()
    %barrier3A = arith.constant 0 : index
    tpu.barrier barrier_id(%barrier3A)
    %dma_start3A = arith.constant 0 : i32
    %dma_start3A_9 = tpu.memref_slice %arg7[%dma_start3A] : memref<10080xi32, #tpu.memory_space<vmem>> -> memref<80xi32, #tpu.memory_space<vmem>>
    %dma_start3A_10 = arith.constant 0 : i32
    %dma_start3A_11 = arith.constant 0 : i32
    %dma_start3A_12 = tpu.memref_slice %arg2[%dma_start3A_10, %dma_start3A_11] : memref<10000x128xf32, #tpu.memory_space<hbm>> -> memref<10000x128xf32, #tpu.memory_space<hbm>>
    tpu.enqueue_indirect_dma source(%dma_start3A_12 : memref<10000x128xf32, #tpu.memory_space<hbm>>) target(%arg9 : memref<80x128xf32, #tpu.memory_space<vmem>>) offsets(%dma_start3A_9 : memref<80xi32, #tpu.memory_space<vmem>>) semaphore(%arg12 : memref<!tpu.dma_semaphore, #tpu.memory_space<semaphore_mem>>)
    %scan3A = arith.constant 0 : i32
    %scan3A_13 = arith.constant 0 : i32
    %scan3A_14 = arith.constant 125 : i32
    %scan3A_15 = arith.addi %scan3A_13, %scan3A_14 : i32
    %scan3A_16 = arith.constant 1 : i32
    scf.for %scan3A_37 = %scan3A_13 to %scan3A_15 step %scan3A_16  : i32 {
      %jit3A = arith.constant 2 : i32
      %eq3A = arith.constant 0 : i32
      %eq3A_38 = arith.cmpi eq, %jit3A, %eq3A : i32
      %jit3A_39 = arith.constant 1 : i32
      %select_n3A = arith.select %eq3A_38, %jit3A_39, %jit3A : i32
      %rem3A = arith.remsi %scan3A_37, %select_n3A : i32
      %ne3A = arith.constant 0 : i32
      %ne3A_40 = arith.cmpi ne, %rem3A, %ne3A : i32
      %lt3A = arith.constant 0 : i32
      %lt3A_41 = arith.cmpi slt, %rem3A, %lt3A : i32
      %lt3A_42 = arith.constant 0 : i32
      %lt3A_43 = arith.cmpi slt, %select_n3A, %lt3A_42 : i32
      %ne3A_44 = arith.xori %lt3A_41, %lt3A_43 : i1
      %and3A = arith.andi %ne3A_44, %ne3A_40 : i1
      %add3A_45 = arith.addi %rem3A, %select_n3A : i32
      %select_n3A_46 = arith.select %and3A, %add3A_45, %rem3A : i32
      %eq3A_47 = arith.constant 0 : i32
      %eq3A_48 = arith.cmpi eq, %select_n3A_46, %eq3A_47 : i32
      %convert_element_type3A = arith.extui %eq3A_48 : i1 to i32
      %cond3A = arith.constant 0 : i32
      %cond3A_49 = arith.cmpi ne, %convert_element_type3A, %cond3A : i32
      scf.if %cond3A_49 {
        %mul3A_71 = arith.constant 80 : i32
        %mul3A_72 = arith.muli %scan3A_37, %mul3A_71 : i32
        %dma_wait3A_73 = tpu.memref_slice %arg7[%mul3A_72] : memref<10080xi32, #tpu.memory_space<vmem>> -> memref<80xi32, #tpu.memory_space<vmem>>
        %dma_wait3A_74 = arith.constant 0 : i32
        %dma_wait3A_75 = arith.constant 0 : i32
        %dma_wait3A_76 = tpu.memref_slice %arg2[%dma_wait3A_74, %dma_wait3A_75] : memref<10000x128xf32, #tpu.memory_space<hbm>> -> memref<10000x128xf32, #tpu.memory_space<hbm>>
        tpu.wait_indirect_dma semaphore(%arg12 : memref<!tpu.dma_semaphore, #tpu.memory_space<semaphore_mem>>) src(%dma_wait3A_76 : memref<10000x128xf32, #tpu.memory_space<hbm>>) dst(%arg9 : memref<80x128xf32, #tpu.memory_space<vmem>>)
        %ge3A = arith.constant 1 : i32
        %ge3A_77 = arith.cmpi sge, %scan3A_37, %ge3A : i32
        %convert_element_type3A_78 = arith.extui %ge3A_77 : i1 to i32
        %cond3A_79 = arith.constant 0 : i32
        %cond3A_80 = arith.cmpi ne, %convert_element_type3A_78, %cond3A_79 : i32
        scf.if %cond3A_80 {
          %sub3A = arith.constant 1 : i32
          %sub3A_95 = arith.subi %scan3A_37, %sub3A : i32
          %dma_wait3A_96 = arith.constant 0 : i32
          %dma_wait3A_97 = tpu.memref_slice %arg8[%sub3A_95, %dma_wait3A_96] : memref<125x80xi32, #tpu.memory_space<vmem>> -> memref<1x80xi32, #tpu.memory_space<vmem>>
          %dma_wait3A_98 = tpu.memref_squeeze %dma_wait3A_97 : memref<1x80xi32, #tpu.memory_space<vmem>> -> memref<80xi32, #tpu.memory_space<vmem>>
          %dma_wait3A_99 = arith.constant 0 : i32
          %dma_wait3A_100 = arith.constant 0 : i32
          %dma_wait3A_101 = tpu.memref_slice %arg11[%dma_wait3A_99, %dma_wait3A_100] : memref<10240x128xf32, #tpu.memory_space<vmem_shared>> -> memref<10240x128xf32, #tpu.memory_space<vmem_shared>>
          tpu.wait_indirect_dma semaphore(%arg15 : memref<!tpu.dma_semaphore, #tpu.memory_space<semaphore_mem>>) src(%arg10 : memref<80x128xf32, #tpu.memory_space<vmem>>) dst(%dma_wait3A_101 : memref<10240x128xf32, #tpu.memory_space<vmem_shared>>)
        } else {
        }
        %add3A_81 = arith.constant 1 : i32
        %add3A_82 = arith.addi %scan3A_37, %add3A_81 : i32
        %mul3A_83 = arith.constant 80 : i32
        %mul3A_84 = arith.muli %add3A_82, %mul3A_83 : i32
        %dma_start3A_85 = tpu.memref_slice %arg7[%mul3A_84] : memref<10080xi32, #tpu.memory_space<vmem>> -> memref<80xi32, #tpu.memory_space<vmem>>
        %dma_start3A_86 = arith.constant 0 : i32
        %dma_start3A_87 = arith.constant 0 : i32
        %dma_start3A_88 = tpu.memref_slice %arg2[%dma_start3A_86, %dma_start3A_87] : memref<10000x128xf32, #tpu.memory_space<hbm>> -> memref<10000x128xf32, #tpu.memory_space<hbm>>
        tpu.enqueue_indirect_dma source(%dma_start3A_88 : memref<10000x128xf32, #tpu.memory_space<hbm>>) target(%arg10 : memref<80x128xf32, #tpu.memory_space<vmem>>) offsets(%dma_start3A_85 : memref<80xi32, #tpu.memory_space<vmem>>) semaphore(%arg13 : memref<!tpu.dma_semaphore, #tpu.memory_space<semaphore_mem>>)
        %dma_start3A_89 = arith.constant 0 : i32
        %dma_start3A_90 = tpu.memref_slice %arg8[%scan3A_37, %dma_start3A_89] : memref<125x80xi32, #tpu.memory_space<vmem>> -> memref<1x80xi32, #tpu.memory_space<vmem>>
        %dma_start3A_91 = tpu.memref_squeeze %dma_start3A_90 : memref<1x80xi32, #tpu.memory_space<vmem>> -> memref<80xi32, #tpu.memory_space<vmem>>
        %dma_start3A_92 = arith.constant 0 : i32
        %dma_start3A_93 = arith.constant 0 : i32
        %dma_start3A_94 = tpu.memref_slice %arg11[%dma_start3A_92, %dma_start3A_93] : memref<10240x128xf32, #tpu.memory_space<vmem_shared>> -> memref<10240x128xf32, #tpu.memory_space<vmem_shared>>
        tpu.enqueue_indirect_dma source(%arg9 : memref<80x128xf32, #tpu.memory_space<vmem>>) target(%dma_start3A_94 : memref<10240x128xf32, #tpu.memory_space<vmem_shared>>) offsets(%dma_start3A_91 : memref<80xi32, #tpu.memory_space<vmem>>) semaphore(%arg14 : memref<!tpu.dma_semaphore, #tpu.memory_space<semaphore_mem>>) {add = true}
      } else {
      }
      %jit3A_50 = arith.constant 2 : i32
      %eq3A_51 = arith.constant 0 : i32
      %eq3A_52 = arith.cmpi eq, %jit3A_50, %eq3A_51 : i32
      %jit3A_53 = arith.constant 1 : i32
      %select_n3A_54 = arith.select %eq3A_52, %jit3A_53, %jit3A_50 : i32
      %rem3A_55 = arith.remsi %scan3A_37, %select_n3A_54 : i32
      %ne3A_56 = arith.constant 0 : i32
      %ne3A_57 = arith.cmpi ne, %rem3A_55, %ne3A_56 : i32
      %lt3A_58 = arith.constant 0 : i32
      %lt3A_59 = arith.cmpi slt, %rem3A_55, %lt3A_58 : i32
      %lt3A_60 = arith.constant 0 : i32
      %lt3A_61 = arith.cmpi slt, %select_n3A_54, %lt3A_60 : i32
      %ne3A_62 = arith.xori %lt3A_59, %lt3A_61 : i1
      %and3A_63 = arith.andi %ne3A_62, %ne3A_57 : i1
      %add3A_64 = arith.addi %rem3A_55, %select_n3A_54 : i32
      %select_n3A_65 = arith.select %and3A_63, %add3A_64, %rem3A_55 : i32
      %eq3A_66 = arith.constant 1 : i32
      %eq3A_67 = arith.cmpi eq, %select_n3A_65, %eq3A_66 : i32
      %convert_element_type3A_68 = arith.extui %eq3A_67 : i1 to i32
      %cond3A_69 = arith.constant 0 : i32
      %cond3A_70 = arith.cmpi ne, %convert_element_type3A_68, %cond3A_69 : i32
      scf.if %cond3A_70 {
        %mul3A_71 = arith.constant 80 : i32
        %mul3A_72 = arith.muli %scan3A_37, %mul3A_71 : i32
        %dma_wait3A_73 = tpu.memref_slice %arg7[%mul3A_72] : memref<10080xi32, #tpu.memory_space<vmem>> -> memref<80xi32, #tpu.memory_space<vmem>>
        %dma_wait3A_74 = arith.constant 0 : i32
        %dma_wait3A_75 = arith.constant 0 : i32
        %dma_wait3A_76 = tpu.memref_slice %arg2[%dma_wait3A_74, %dma_wait3A_75] : memref<10000x128xf32, #tpu.memory_space<hbm>> -> memref<10000x128xf32, #tpu.memory_space<hbm>>
        tpu.wait_indirect_dma semaphore(%arg13 : memref<!tpu.dma_semaphore, #tpu.memory_space<semaphore_mem>>) src(%dma_wait3A_76 : memref<10000x128xf32, #tpu.memory_space<hbm>>) dst(%arg10 : memref<80x128xf32, #tpu.memory_space<vmem>>)
        %ge3A = arith.constant 1 : i32
        %ge3A_77 = arith.cmpi sge, %scan3A_37, %ge3A : i32
        %convert_element_type3A_78 = arith.extui %ge3A_77 : i1 to i32
        %cond3A_79 = arith.constant 0 : i32
        %cond3A_80 = arith.cmpi ne, %convert_element_type3A_78, %cond3A_79 : i32
        scf.if %cond3A_80 {
          %sub3A = arith.constant 1 : i32
          %sub3A_95 = arith.subi %scan3A_37, %sub3A : i32
          %dma_wait3A_96 = arith.constant 0 : i32
          %dma_wait3A_97 = tpu.memref_slice %arg8[%sub3A_95, %dma_wait3A_96] : memref<125x80xi32, #tpu.memory_space<vmem>> -> memref<1x80xi32, #tpu.memory_space<vmem>>
          %dma_wait3A_98 = tpu.memref_squeeze %dma_wait3A_97 : memref<1x80xi32, #tpu.memory_space<vmem>> -> memref<80xi32, #tpu.memory_space<vmem>>
          %dma_wait3A_99 = arith.constant 0 : i32
          %dma_wait3A_100 = arith.constant 0 : i32
          %dma_wait3A_101 = tpu.memref_slice %arg11[%dma_wait3A_99, %dma_wait3A_100] : memref<10240x128xf32, #tpu.memory_space<vmem_shared>> -> memref<10240x128xf32, #tpu.memory_space<vmem_shared>>
          tpu.wait_indirect_dma semaphore(%arg14 : memref<!tpu.dma_semaphore, #tpu.memory_space<semaphore_mem>>) src(%arg9 : memref<80x128xf32, #tpu.memory_space<vmem>>) dst(%dma_wait3A_101 : memref<10240x128xf32, #tpu.memory_space<vmem_shared>>)
        } else {
        }
        %add3A_81 = arith.constant 1 : i32
        %add3A_82 = arith.addi %scan3A_37, %add3A_81 : i32
        %mul3A_83 = arith.constant 80 : i32
        %mul3A_84 = arith.muli %add3A_82, %mul3A_83 : i32
        %dma_start3A_85 = tpu.memref_slice %arg7[%mul3A_84] : memref<10080xi32, #tpu.memory_space<vmem>> -> memref<80xi32, #tpu.memory_space<vmem>>
        %dma_start3A_86 = arith.constant 0 : i32
        %dma_start3A_87 = arith.constant 0 : i32
        %dma_start3A_88 = tpu.memref_slice %arg2[%dma_start3A_86, %dma_start3A_87] : memref<10000x128xf32, #tpu.memory_space<hbm>> -> memref<10000x128xf32, #tpu.memory_space<hbm>>
        tpu.enqueue_indirect_dma source(%dma_start3A_88 : memref<10000x128xf32, #tpu.memory_space<hbm>>) target(%arg9 : memref<80x128xf32, #tpu.memory_space<vmem>>) offsets(%dma_start3A_85 : memref<80xi32, #tpu.memory_space<vmem>>) semaphore(%arg12 : memref<!tpu.dma_semaphore, #tpu.memory_space<semaphore_mem>>)
        %dma_start3A_89 = arith.constant 0 : i32
        %dma_start3A_90 = tpu.memref_slice %arg8[%scan3A_37, %dma_start3A_89] : memref<125x80xi32, #tpu.memory_space<vmem>> -> memref<1x80xi32, #tpu.memory_space<vmem>>
        %dma_start3A_91 = tpu.memref_squeeze %dma_start3A_90 : memref<1x80xi32, #tpu.memory_space<vmem>> -> memref<80xi32, #tpu.memory_space<vmem>>
        %dma_start3A_92 = arith.constant 0 : i32
        %dma_start3A_93 = arith.constant 0 : i32
        %dma_start3A_94 = tpu.memref_slice %arg11[%dma_start3A_92, %dma_start3A_93] : memref<10240x128xf32, #tpu.memory_space<vmem_shared>> -> memref<10240x128xf32, #tpu.memory_space<vmem_shared>>
        tpu.enqueue_indirect_dma source(%arg10 : memref<80x128xf32, #tpu.memory_space<vmem>>) target(%dma_start3A_94 : memref<10240x128xf32, #tpu.memory_space<vmem_shared>>) offsets(%dma_start3A_91 : memref<80xi32, #tpu.memory_space<vmem>>) semaphore(%arg15 : memref<!tpu.dma_semaphore, #tpu.memory_space<semaphore_mem>>) {add = true}
      } else {
      }
    }
    %scan3A_17 = arith.constant 125 : i32
    %dma_wait3A = arith.constant 124 : i32
    %dma_wait3A_18 = arith.constant 0 : i32
    %dma_wait3A_19 = tpu.memref_slice %arg8[%dma_wait3A, %dma_wait3A_18] : memref<125x80xi32, #tpu.memory_space<vmem>> -> memref<1x80xi32, #tpu.memory_space<vmem>>
    %dma_wait3A_20 = tpu.memref_squeeze %dma_wait3A_19 : memref<1x80xi32, #tpu.memory_space<vmem>> -> memref<80xi32, #tpu.memory_space<vmem>>
    %dma_wait3A_21 = arith.constant 0 : i32
    %dma_wait3A_22 = arith.constant 0 : i32
    %dma_wait3A_23 = tpu.memref_slice %arg11[%dma_wait3A_21, %dma_wait3A_22] : memref<10240x128xf32, #tpu.memory_space<vmem_shared>> -> memref<10240x128xf32, #tpu.memory_space<vmem_shared>>
    tpu.wait_indirect_dma semaphore(%arg14 : memref<!tpu.dma_semaphore, #tpu.memory_space<semaphore_mem>>) src(%arg9 : memref<80x128xf32, #tpu.memory_space<vmem>>) dst(%dma_wait3A_23 : memref<10240x128xf32, #tpu.memory_space<vmem_shared>>)
    %dma_wait3A_24 = arith.constant 10000 : i32
    %dma_wait3A_25 = tpu.memref_slice %arg7[%dma_wait3A_24] : memref<10080xi32, #tpu.memory_space<vmem>> -> memref<80xi32, #tpu.memory_space<vmem>>
    %dma_wait3A_26 = arith.constant 0 : i32
    %dma_wait3A_27 = arith.constant 0 : i32
    %dma_wait3A_28 = tpu.memref_slice %arg2[%dma_wait3A_26, %dma_wait3A_27] : memref<10000x128xf32, #tpu.memory_space<hbm>> -> memref<10000x128xf32, #tpu.memory_space<hbm>>
    tpu.wait_indirect_dma semaphore(%arg13 : memref<!tpu.dma_semaphore, #tpu.memory_space<semaphore_mem>>) src(%dma_wait3A_28 : memref<10000x128xf32, #tpu.memory_space<hbm>>) dst(%arg10 : memref<80x128xf32, #tpu.memory_space<vmem>>)
    %barrier3A_29 = arith.constant 0 : index
    tpu.barrier barrier_id(%barrier3A_29)
    %mul3A_30 = arith.constant 640 : i32
    %mul3A_31 = arith.muli %arg1, %mul3A_30 : i32
    %mul3A_32 = arith.constant 10240 : i32
    %mul3A_33 = arith.muli %arg0, %mul3A_32 : i32
    %mul3A_34 = arith.constant 640 : i32
    %mul3A_35 = arith.muli %arg1, %mul3A_34 : i32
    %add3A_36 = arith.addi %mul3A_33, %mul3A_35 : i32
    "tpu.region"() ({
      %run_scoped3A = tpu.sem_alloc : memref<!tpu.dma_semaphore, #tpu.memory_space<semaphore_mem>>
      %dma_start3A_37 = arith.constant 0 : i32
      %dma_start3A_38 = tpu.memref_slice %arg6[%add3A_36, %dma_start3A_37] : memref<20480x128xf32, #tpu.memory_space<hbm>> -> memref<640x128xf32, #tpu.memory_space<hbm>>
      %dma_start3A_39 = arith.constant 0 : i32
      %dma_start3A_40 = tpu.memref_slice %arg11[%mul3A_31, %dma_start3A_39] : memref<10240x128xf32, #tpu.memory_space<vmem_shared>> -> memref<640x128xf32, #tpu.memory_space<vmem_shared>>
      tpu.enqueue_dma source(%dma_start3A_40 : memref<640x128xf32, #tpu.memory_space<vmem_shared>>) target(%dma_start3A_38 : memref<640x128xf32, #tpu.memory_space<hbm>>) target_semaphore(%run_scoped3A : memref<!tpu.dma_semaphore, #tpu.memory_space<semaphore_mem>>)
      %dma_wait3A_41 = arith.constant 0 : i32
      %dma_wait3A_42 = tpu.memref_slice %arg6[%add3A_36, %dma_wait3A_41] : memref<20480x128xf32, #tpu.memory_space<hbm>> -> memref<640x128xf32, #tpu.memory_space<hbm>>
      %dma_wait3A_43 = arith.constant 0 : i32
      %dma_wait3A_44 = tpu.memref_slice %arg11[%mul3A_31, %dma_wait3A_43] : memref<10240x128xf32, #tpu.memory_space<vmem_shared>> -> memref<640x128xf32, #tpu.memory_space<vmem_shared>>
      tpu.wait_dma2 semaphore(%run_scoped3A : memref<!tpu.dma_semaphore, #tpu.memory_space<semaphore_mem>>) src(%dma_wait3A_44 : memref<640x128xf32, #tpu.memory_space<vmem_shared>>) dst(%dma_wait3A_42 : memref<640x128xf32, #tpu.memory_space<hbm>>)
      tpu.yield
    }) : () -> ()
    return
  }
}

#map = affine_map<(d0, d1) -> (0, 0, 0)>
#map1 = affine_map<(d0, d1) -> (0, 0)>
module attributes {stable_mosaic.version = 14 : i64} {
  func.func @_sc_degree(%arg0: i32, %arg1: i32, %arg2: memref<32x125x80xi32, #tpu.memory_space<hbm>>, %arg3: memref<10240x128xf32, #tpu.memory_space<hbm>>, %arg4: memref<80x128xf32, #tpu.memory_space<hbm>>, %arg5: memref<20480x128xf32, #tpu.memory_space<hbm>>, %arg6: memref<125x80xi32, #tpu.memory_space<vmem>>, %arg7: memref<80x128xf32, #tpu.memory_space<vmem>>, %arg8: memref<10240x128xf32, #tpu.memory_space<vmem_shared>>) attributes {dimension_semantics = [#tpu.dimension_semantics<core_parallel>, #tpu.dimension_semantics<subcore_parallel>], iteration_bounds = array<i64: 2, 16>, scalar_prefetch = 0 : i64, scratch_operands = 3 : i64, tpu.core_type = #tpu.core_type<sc_vector_subcore>, window_params = [{transform_indices = #map}, {transform_indices = #map1}, {transform_indices = #map1}, {transform_indices = #map1}]} {
    %mul3A = arith.constant 16 : i32
    %mul3A_0 = arith.muli %arg0, %mul3A : i32
    %add3A = arith.addi %mul3A_0, %arg1 : i32
    %mul3A_1 = arith.constant 640 : i32
    %mul3A_2 = arith.muli %arg1, %mul3A_1 : i32
    %mul3A_3 = arith.constant 640 : i32
    %mul3A_4 = arith.muli %arg1, %mul3A_3 : i32
    "tpu.region"() ({
      %run_scoped3A = tpu.sem_alloc : memref<!tpu.dma_semaphore, #tpu.memory_space<semaphore_mem>>
      %dma_start3A = arith.constant 0 : i32
      %dma_start3A_18 = tpu.memref_slice %arg8[%mul3A_4, %dma_start3A] : memref<10240x128xf32, #tpu.memory_space<vmem_shared>> -> memref<640x128xf32, #tpu.memory_space<vmem_shared>>
      %dma_start3A_19 = arith.constant 0 : i32
      %dma_start3A_20 = tpu.memref_slice %arg3[%mul3A_2, %dma_start3A_19] : memref<10240x128xf32, #tpu.memory_space<hbm>> -> memref<640x128xf32, #tpu.memory_space<hbm>>
      tpu.enqueue_dma source(%dma_start3A_20 : memref<640x128xf32, #tpu.memory_space<hbm>>) target(%dma_start3A_18 : memref<640x128xf32, #tpu.memory_space<vmem_shared>>) target_semaphore(%run_scoped3A : memref<!tpu.dma_semaphore, #tpu.memory_space<semaphore_mem>>)
      %dma_wait3A = arith.constant 0 : i32
      %dma_wait3A_21 = tpu.memref_slice %arg8[%mul3A_4, %dma_wait3A] : memref<10240x128xf32, #tpu.memory_space<vmem_shared>> -> memref<640x128xf32, #tpu.memory_space<vmem_shared>>
      %dma_wait3A_22 = arith.constant 0 : i32
      %dma_wait3A_23 = tpu.memref_slice %arg3[%mul3A_2, %dma_wait3A_22] : memref<10240x128xf32, #tpu.memory_space<hbm>> -> memref<640x128xf32, #tpu.memory_space<hbm>>
      tpu.wait_dma2 semaphore(%run_scoped3A : memref<!tpu.dma_semaphore, #tpu.memory_space<semaphore_mem>>) src(%dma_wait3A_23 : memref<640x128xf32, #tpu.memory_space<hbm>>) dst(%dma_wait3A_21 : memref<640x128xf32, #tpu.memory_space<vmem_shared>>)
      tpu.yield
    }) : () -> ()
    "tpu.region"() ({
      %run_scoped3A = tpu.sem_alloc : memref<!tpu.dma_semaphore, #tpu.memory_space<semaphore_mem>>
      tpu.enqueue_dma source(%arg4 : memref<80x128xf32, #tpu.memory_space<hbm>>) target(%arg7 : memref<80x128xf32, #tpu.memory_space<vmem>>) target_semaphore(%run_scoped3A : memref<!tpu.dma_semaphore, #tpu.memory_space<semaphore_mem>>)
      tpu.wait_dma2 semaphore(%run_scoped3A : memref<!tpu.dma_semaphore, #tpu.memory_space<semaphore_mem>>) src(%arg4 : memref<80x128xf32, #tpu.memory_space<hbm>>) dst(%arg7 : memref<80x128xf32, #tpu.memory_space<vmem>>)
      tpu.yield
    }) : () -> ()
    "tpu.region"() ({
      %run_scoped3A = tpu.sem_alloc : memref<!tpu.dma_semaphore, #tpu.memory_space<semaphore_mem>>
      %dma_start3A = arith.constant 0 : i32
      %dma_start3A_18 = arith.constant 0 : i32
      %dma_start3A_19 = tpu.memref_slice %arg2[%add3A, %dma_start3A, %dma_start3A_18] : memref<32x125x80xi32, #tpu.memory_space<hbm>> -> memref<1x125x80xi32, #tpu.memory_space<hbm>>
      %dma_start3A_20 = tpu.memref_squeeze %dma_start3A_19 : memref<1x125x80xi32, #tpu.memory_space<hbm>> -> memref<125x80xi32, #tpu.memory_space<hbm>>
      %dma_start3A_21 = arith.constant 0 : i32
      %dma_start3A_22 = arith.constant 0 : i32
      %dma_start3A_23 = tpu.memref_slice %arg2[%add3A, %dma_start3A_21, %dma_start3A_22] : memref<32x125x80xi32, #tpu.memory_space<hbm>> -> memref<1x125x80xi32, #tpu.memory_space<hbm>>
      %dma_start3A_24 = tpu.memref_squeeze %dma_start3A_23 : memref<1x125x80xi32, #tpu.memory_space<hbm>> -> memref<125x80xi32, #tpu.memory_space<hbm>>
      tpu.enqueue_dma source(%dma_start3A_24 : memref<125x80xi32, #tpu.memory_space<hbm>>) target(%arg6 : memref<125x80xi32, #tpu.memory_space<vmem>>) target_semaphore(%run_scoped3A : memref<!tpu.dma_semaphore, #tpu.memory_space<semaphore_mem>>)
      %dma_wait3A = arith.constant 0 : i32
      %dma_wait3A_25 = arith.constant 0 : i32
      %dma_wait3A_26 = tpu.memref_slice %arg2[%add3A, %dma_wait3A, %dma_wait3A_25] : memref<32x125x80xi32, #tpu.memory_space<hbm>> -> memref<1x125x80xi32, #tpu.memory_space<hbm>>
      %dma_wait3A_27 = tpu.memref_squeeze %dma_wait3A_26 : memref<1x125x80xi32, #tpu.memory_space<hbm>> -> memref<125x80xi32, #tpu.memory_space<hbm>>
      %dma_wait3A_28 = arith.constant 0 : i32
      %dma_wait3A_29 = arith.constant 0 : i32
      %dma_wait3A_30 = tpu.memref_slice %arg2[%add3A, %dma_wait3A_28, %dma_wait3A_29] : memref<32x125x80xi32, #tpu.memory_space<hbm>> -> memref<1x125x80xi32, #tpu.memory_space<hbm>>
      %dma_wait3A_31 = tpu.memref_squeeze %dma_wait3A_30 : memref<1x125x80xi32, #tpu.memory_space<hbm>> -> memref<125x80xi32, #tpu.memory_space<hbm>>
      tpu.wait_dma2 semaphore(%run_scoped3A : memref<!tpu.dma_semaphore, #tpu.memory_space<semaphore_mem>>) src(%dma_wait3A_31 : memref<125x80xi32, #tpu.memory_space<hbm>>) dst(%arg6 : memref<125x80xi32, #tpu.memory_space<vmem>>)
      tpu.yield
    }) : () -> ()
    %barrier3A = arith.constant 0 : index
    tpu.barrier barrier_id(%barrier3A)
    %scan3A = arith.constant 0 : i32
    %scan3A_5 = arith.constant 0 : i32
    %scan3A_6 = arith.constant 125 : i32
    %scan3A_7 = arith.addi %scan3A_5, %scan3A_6 : i32
    %scan3A_8 = arith.constant 1 : i32
    scf.for %scan3A_18 = %scan3A_5 to %scan3A_7 step %scan3A_8  : i32 {
      "tpu.region"() ({
        %run_scoped3A = tpu.sem_alloc : memref<!tpu.dma_semaphore, #tpu.memory_space<semaphore_mem>>
        %dma_start3A = arith.constant 0 : i32
        %dma_start3A_19 = tpu.memref_slice %arg6[%scan3A_18, %dma_start3A] : memref<125x80xi32, #tpu.memory_space<vmem>> -> memref<1x80xi32, #tpu.memory_space<vmem>>
        %dma_start3A_20 = tpu.memref_squeeze %dma_start3A_19 : memref<1x80xi32, #tpu.memory_space<vmem>> -> memref<80xi32, #tpu.memory_space<vmem>>
        %dma_start3A_21 = arith.constant 0 : i32
        %dma_start3A_22 = arith.constant 0 : i32
        %dma_start3A_23 = tpu.memref_slice %arg8[%dma_start3A_21, %dma_start3A_22] : memref<10240x128xf32, #tpu.memory_space<vmem_shared>> -> memref<10240x128xf32, #tpu.memory_space<vmem_shared>>
        tpu.enqueue_indirect_dma source(%arg7 : memref<80x128xf32, #tpu.memory_space<vmem>>) target(%dma_start3A_23 : memref<10240x128xf32, #tpu.memory_space<vmem_shared>>) offsets(%dma_start3A_20 : memref<80xi32, #tpu.memory_space<vmem>>) semaphore(%run_scoped3A : memref<!tpu.dma_semaphore, #tpu.memory_space<semaphore_mem>>) {add = true}
        %dma_wait3A = arith.constant 0 : i32
        %dma_wait3A_24 = tpu.memref_slice %arg6[%scan3A_18, %dma_wait3A] : memref<125x80xi32, #tpu.memory_space<vmem>> -> memref<1x80xi32, #tpu.memory_space<vmem>>
        %dma_wait3A_25 = tpu.memref_squeeze %dma_wait3A_24 : memref<1x80xi32, #tpu.memory_space<vmem>> -> memref<80xi32, #tpu.memory_space<vmem>>
        %dma_wait3A_26 = arith.constant 0 : i32
        %dma_wait3A_27 = arith.constant 0 : i32
        %dma_wait3A_28 = tpu.memref_slice %arg8[%dma_wait3A_26, %dma_wait3A_27] : memref<10240x128xf32, #tpu.memory_space<vmem_shared>> -> memref<10240x128xf32, #tpu.memory_space<vmem_shared>>
        tpu.wait_indirect_dma semaphore(%run_scoped3A : memref<!tpu.dma_semaphore, #tpu.memory_space<semaphore_mem>>) src(%arg7 : memref<80x128xf32, #tpu.memory_space<vmem>>) dst(%dma_wait3A_28 : memref<10240x128xf32, #tpu.memory_space<vmem_shared>>)
        tpu.yield
      }) : () -> ()
    }
    %scan3A_9 = arith.constant 125 : i32
    %barrier3A_10 = arith.constant 0 : index
    tpu.barrier barrier_id(%barrier3A_10)
    %mul3A_11 = arith.constant 640 : i32
    %mul3A_12 = arith.muli %arg1, %mul3A_11 : i32
    %mul3A_13 = arith.constant 10240 : i32
    %mul3A_14 = arith.muli %arg0, %mul3A_13 : i32
    %mul3A_15 = arith.constant 640 : i32
    %mul3A_16 = arith.muli %arg1, %mul3A_15 : i32
    %add3A_17 = arith.addi %mul3A_14, %mul3A_16 : i32
    "tpu.region"() ({
      %run_scoped3A = tpu.sem_alloc : memref<!tpu.dma_semaphore, #tpu.memory_space<semaphore_mem>>
      %dma_start3A = arith.constant 0 : i32
      %dma_start3A_18 = tpu.memref_slice %arg5[%add3A_17, %dma_start3A] : memref<20480x128xf32, #tpu.memory_space<hbm>> -> memref<640x128xf32, #tpu.memory_space<hbm>>
      %dma_start3A_19 = arith.constant 0 : i32
      %dma_start3A_20 = tpu.memref_slice %arg8[%mul3A_12, %dma_start3A_19] : memref<10240x128xf32, #tpu.memory_space<vmem_shared>> -> memref<640x128xf32, #tpu.memory_space<vmem_shared>>
      tpu.enqueue_dma source(%dma_start3A_20 : memref<640x128xf32, #tpu.memory_space<vmem_shared>>) target(%dma_start3A_18 : memref<640x128xf32, #tpu.memory_space<hbm>>) target_semaphore(%run_scoped3A : memref<!tpu.dma_semaphore, #tpu.memory_space<semaphore_mem>>)
      %dma_wait3A = arith.constant 0 : i32
      %dma_wait3A_21 = tpu.memref_slice %arg5[%add3A_17, %dma_wait3A] : memref<20480x128xf32, #tpu.memory_space<hbm>> -> memref<640x128xf32, #tpu.memory_space<hbm>>
      %dma_wait3A_22 = arith.constant 0 : i32
      %dma_wait3A_23 = tpu.memref_slice %arg8[%mul3A_12, %dma_wait3A_22] : memref<10240x128xf32, #tpu.memory_space<vmem_shared>> -> memref<640x128xf32, #tpu.memory_space<vmem_shared>>
      tpu.wait_dma2 semaphore(%run_scoped3A : memref<!tpu.dma_semaphore, #tpu.memory_space<semaphore_mem>>) src(%dma_wait3A_23 : memref<640x128xf32, #tpu.memory_space<vmem_shared>>) dst(%dma_wait3A_21 : memref<640x128xf32, #tpu.memory_space<hbm>>)
      tpu.yield
    }) : () -> ()
    return
  }
}

#map = affine_map<(d0, d1) -> (0, 0)>
#map1 = affine_map<(d0, d1) -> (0)>
#map2 = affine_map<(d0, d1) -> (0, 0, 0)>
module attributes {stable_mosaic.version = 14 : i64} {
  func.func @_sc_agg(%arg0: i32, %arg1: i32, %arg2: memref<10000x128xf32, #tpu.memory_space<hbm>>, %arg3: memref<322560xi32, #tpu.memory_space<hbm>>, %arg4: memref<32x125x80xi32, #tpu.memory_space<hbm>>, %arg5: memref<10240x128xf32, #tpu.memory_space<hbm>>, %arg6: memref<20480x128xf32, #tpu.memory_space<hbm>>, %arg7: memref<10080xi32, #tpu.memory_space<vmem>>, %arg8: memref<125x80xi32, #tpu.memory_space<vmem>>, %arg9: memref<80x128xf32, #tpu.memory_space<vmem>>, %arg10: memref<80x128xf32, #tpu.memory_space<vmem>>, %arg11: memref<10240x128xf32, #tpu.memory_space<vmem_shared>>, %arg12: memref<!tpu.dma_semaphore, #tpu.memory_space<semaphore_mem>>, %arg13: memref<!tpu.dma_semaphore, #tpu.memory_space<semaphore_mem>>, %arg14: memref<!tpu.dma_semaphore, #tpu.memory_space<semaphore_mem>>, %arg15: memref<!tpu.dma_semaphore, #tpu.memory_space<semaphore_mem>>) attributes {dimension_semantics = [#tpu.dimension_semantics<core_parallel>, #tpu.dimension_semantics<subcore_parallel>], iteration_bounds = array<i64: 2, 16>, scalar_prefetch = 0 : i64, scratch_operands = 9 : i64, tpu.core_type = #tpu.core_type<sc_vector_subcore>, window_params = [{transform_indices = #map}, {transform_indices = #map1}, {transform_indices = #map2}, {transform_indices = #map}, {transform_indices = #map}]} {
    %mul3A = arith.constant 16 : i32
    %mul3A_0 = arith.muli %arg0, %mul3A : i32
    %add3A = arith.addi %mul3A_0, %arg1 : i32
    %mul3A_1 = arith.constant 640 : i32
    %mul3A_2 = arith.muli %arg1, %mul3A_1 : i32
    %mul3A_3 = arith.constant 640 : i32
    %mul3A_4 = arith.muli %arg1, %mul3A_3 : i32
    "tpu.region"() ({
      %run_scoped3A = tpu.sem_alloc : memref<!tpu.dma_semaphore, #tpu.memory_space<semaphore_mem>>
      %dma_start3A_37 = arith.constant 0 : i32
      %dma_start3A_38 = tpu.memref_slice %arg11[%mul3A_4, %dma_start3A_37] : memref<10240x128xf32, #tpu.memory_space<vmem_shared>> -> memref<640x128xf32, #tpu.memory_space<vmem_shared>>
      %dma_start3A_39 = arith.constant 0 : i32
      %dma_start3A_40 = tpu.memref_slice %arg5[%mul3A_2, %dma_start3A_39] : memref<10240x128xf32, #tpu.memory_space<hbm>> -> memref<640x128xf32, #tpu.memory_space<hbm>>
      tpu.enqueue_dma source(%dma_start3A_40 : memref<640x128xf32, #tpu.memory_space<hbm>>) target(%dma_start3A_38 : memref<640x128xf32, #tpu.memory_space<vmem_shared>>) target_semaphore(%run_scoped3A : memref<!tpu.dma_semaphore, #tpu.memory_space<semaphore_mem>>)
      %dma_wait3A_41 = arith.constant 0 : i32
      %dma_wait3A_42 = tpu.memref_slice %arg11[%mul3A_4, %dma_wait3A_41] : memref<10240x128xf32, #tpu.memory_space<vmem_shared>> -> memref<640x128xf32, #tpu.memory_space<vmem_shared>>
      %dma_wait3A_43 = arith.constant 0 : i32
      %dma_wait3A_44 = tpu.memref_slice %arg5[%mul3A_2, %dma_wait3A_43] : memref<10240x128xf32, #tpu.memory_space<hbm>> -> memref<640x128xf32, #tpu.memory_space<hbm>>
      tpu.wait_dma2 semaphore(%run_scoped3A : memref<!tpu.dma_semaphore, #tpu.memory_space<semaphore_mem>>) src(%dma_wait3A_44 : memref<640x128xf32, #tpu.memory_space<hbm>>) dst(%dma_wait3A_42 : memref<640x128xf32, #tpu.memory_space<vmem_shared>>)
      tpu.yield
    }) : () -> ()
    %mul3A_5 = arith.constant 126 : i32
    %mul3A_6 = arith.muli %add3A, %mul3A_5 : i32
    %mul3A_7 = arith.constant 80 : i32
    %mul3A_8 = arith.muli %mul3A_6, %mul3A_7 : i32
    "tpu.region"() ({
      %run_scoped3A = tpu.sem_alloc : memref<!tpu.dma_semaphore, #tpu.memory_space<semaphore_mem>>
      %dma_start3A_37 = tpu.memref_slice %arg3[%mul3A_8] : memref<322560xi32, #tpu.memory_space<hbm>> -> memref<10080xi32, #tpu.memory_space<hbm>>
      %dma_start3A_38 = tpu.memref_slice %arg3[%mul3A_8] : memref<322560xi32, #tpu.memory_space<hbm>> -> memref<10080xi32, #tpu.memory_space<hbm>>
      tpu.enqueue_dma source(%dma_start3A_38 : memref<10080xi32, #tpu.memory_space<hbm>>) target(%arg7 : memref<10080xi32, #tpu.memory_space<vmem>>) target_semaphore(%run_scoped3A : memref<!tpu.dma_semaphore, #tpu.memory_space<semaphore_mem>>)
      %dma_wait3A_39 = tpu.memref_slice %arg3[%mul3A_8] : memref<322560xi32, #tpu.memory_space<hbm>> -> memref<10080xi32, #tpu.memory_space<hbm>>
      %dma_wait3A_40 = tpu.memref_slice %arg3[%mul3A_8] : memref<322560xi32, #tpu.memory_space<hbm>> -> memref<10080xi32, #tpu.memory_space<hbm>>
      tpu.wait_dma2 semaphore(%run_scoped3A : memref<!tpu.dma_semaphore, #tpu.memory_space<semaphore_mem>>) src(%dma_wait3A_40 : memref<10080xi32, #tpu.memory_space<hbm>>) dst(%arg7 : memref<10080xi32, #tpu.memory_space<vmem>>)
      tpu.yield
    }) : () -> ()
    "tpu.region"() ({
      %run_scoped3A = tpu.sem_alloc : memref<!tpu.dma_semaphore, #tpu.memory_space<semaphore_mem>>
      %dma_start3A_37 = arith.constant 0 : i32
      %dma_start3A_38 = arith.constant 0 : i32
      %dma_start3A_39 = tpu.memref_slice %arg4[%add3A, %dma_start3A_37, %dma_start3A_38] : memref<32x125x80xi32, #tpu.memory_space<hbm>> -> memref<1x125x80xi32, #tpu.memory_space<hbm>>
      %dma_start3A_40 = tpu.memref_squeeze %dma_start3A_39 : memref<1x125x80xi32, #tpu.memory_space<hbm>> -> memref<125x80xi32, #tpu.memory_space<hbm>>
      %dma_start3A_41 = arith.constant 0 : i32
      %dma_start3A_42 = arith.constant 0 : i32
      %dma_start3A_43 = tpu.memref_slice %arg4[%add3A, %dma_start3A_41, %dma_start3A_42] : memref<32x125x80xi32, #tpu.memory_space<hbm>> -> memref<1x125x80xi32, #tpu.memory_space<hbm>>
      %dma_start3A_44 = tpu.memref_squeeze %dma_start3A_43 : memref<1x125x80xi32, #tpu.memory_space<hbm>> -> memref<125x80xi32, #tpu.memory_space<hbm>>
      tpu.enqueue_dma source(%dma_start3A_44 : memref<125x80xi32, #tpu.memory_space<hbm>>) target(%arg8 : memref<125x80xi32, #tpu.memory_space<vmem>>) target_semaphore(%run_scoped3A : memref<!tpu.dma_semaphore, #tpu.memory_space<semaphore_mem>>)
      %dma_wait3A_45 = arith.constant 0 : i32
      %dma_wait3A_46 = arith.constant 0 : i32
      %dma_wait3A_47 = tpu.memref_slice %arg4[%add3A, %dma_wait3A_45, %dma_wait3A_46] : memref<32x125x80xi32, #tpu.memory_space<hbm>> -> memref<1x125x80xi32, #tpu.memory_space<hbm>>
      %dma_wait3A_48 = tpu.memref_squeeze %dma_wait3A_47 : memref<1x125x80xi32, #tpu.memory_space<hbm>> -> memref<125x80xi32, #tpu.memory_space<hbm>>
      %dma_wait3A_49 = arith.constant 0 : i32
      %dma_wait3A_50 = arith.constant 0 : i32
      %dma_wait3A_51 = tpu.memref_slice %arg4[%add3A, %dma_wait3A_49, %dma_wait3A_50] : memref<32x125x80xi32, #tpu.memory_space<hbm>> -> memref<1x125x80xi32, #tpu.memory_space<hbm>>
      %dma_wait3A_52 = tpu.memref_squeeze %dma_wait3A_51 : memref<1x125x80xi32, #tpu.memory_space<hbm>> -> memref<125x80xi32, #tpu.memory_space<hbm>>
      tpu.wait_dma2 semaphore(%run_scoped3A : memref<!tpu.dma_semaphore, #tpu.memory_space<semaphore_mem>>) src(%dma_wait3A_52 : memref<125x80xi32, #tpu.memory_space<hbm>>) dst(%arg8 : memref<125x80xi32, #tpu.memory_space<vmem>>)
      tpu.yield
    }) : () -> ()
    %barrier3A = arith.constant 0 : index
    tpu.barrier barrier_id(%barrier3A)
    %dma_start3A = arith.constant 0 : i32
    %dma_start3A_9 = tpu.memref_slice %arg7[%dma_start3A] : memref<10080xi32, #tpu.memory_space<vmem>> -> memref<80xi32, #tpu.memory_space<vmem>>
    %dma_start3A_10 = arith.constant 0 : i32
    %dma_start3A_11 = arith.constant 0 : i32
    %dma_start3A_12 = tpu.memref_slice %arg2[%dma_start3A_10, %dma_start3A_11] : memref<10000x128xf32, #tpu.memory_space<hbm>> -> memref<10000x128xf32, #tpu.memory_space<hbm>>
    tpu.enqueue_indirect_dma source(%dma_start3A_12 : memref<10000x128xf32, #tpu.memory_space<hbm>>) target(%arg9 : memref<80x128xf32, #tpu.memory_space<vmem>>) offsets(%dma_start3A_9 : memref<80xi32, #tpu.memory_space<vmem>>) semaphore(%arg12 : memref<!tpu.dma_semaphore, #tpu.memory_space<semaphore_mem>>)
    %scan3A = arith.constant 0 : i32
    %scan3A_13 = arith.constant 0 : i32
    %scan3A_14 = arith.constant 125 : i32
    %scan3A_15 = arith.addi %scan3A_13, %scan3A_14 : i32
    %scan3A_16 = arith.constant 1 : i32
    scf.for %scan3A_37 = %scan3A_13 to %scan3A_15 step %scan3A_16  : i32 {
      %jit3A = arith.constant 2 : i32
      %eq3A = arith.constant 0 : i32
      %eq3A_38 = arith.cmpi eq, %jit3A, %eq3A : i32
      %jit3A_39 = arith.constant 1 : i32
      %select_n3A = arith.select %eq3A_38, %jit3A_39, %jit3A : i32
      %rem3A = arith.remsi %scan3A_37, %select_n3A : i32
      %ne3A = arith.constant 0 : i32
      %ne3A_40 = arith.cmpi ne, %rem3A, %ne3A : i32
      %lt3A = arith.constant 0 : i32
      %lt3A_41 = arith.cmpi slt, %rem3A, %lt3A : i32
      %lt3A_42 = arith.constant 0 : i32
      %lt3A_43 = arith.cmpi slt, %select_n3A, %lt3A_42 : i32
      %ne3A_44 = arith.xori %lt3A_41, %lt3A_43 : i1
      %and3A = arith.andi %ne3A_44, %ne3A_40 : i1
      %add3A_45 = arith.addi %rem3A, %select_n3A : i32
      %select_n3A_46 = arith.select %and3A, %add3A_45, %rem3A : i32
      %eq3A_47 = arith.constant 0 : i32
      %eq3A_48 = arith.cmpi eq, %select_n3A_46, %eq3A_47 : i32
      %convert_element_type3A = arith.extui %eq3A_48 : i1 to i32
      %cond3A = arith.constant 0 : i32
      %cond3A_49 = arith.cmpi ne, %convert_element_type3A, %cond3A : i32
      scf.if %cond3A_49 {
        %mul3A_71 = arith.constant 80 : i32
        %mul3A_72 = arith.muli %scan3A_37, %mul3A_71 : i32
        %dma_wait3A_73 = tpu.memref_slice %arg7[%mul3A_72] : memref<10080xi32, #tpu.memory_space<vmem>> -> memref<80xi32, #tpu.memory_space<vmem>>
        %dma_wait3A_74 = arith.constant 0 : i32
        %dma_wait3A_75 = arith.constant 0 : i32
        %dma_wait3A_76 = tpu.memref_slice %arg2[%dma_wait3A_74, %dma_wait3A_75] : memref<10000x128xf32, #tpu.memory_space<hbm>> -> memref<10000x128xf32, #tpu.memory_space<hbm>>
        tpu.wait_indirect_dma semaphore(%arg12 : memref<!tpu.dma_semaphore, #tpu.memory_space<semaphore_mem>>) src(%dma_wait3A_76 : memref<10000x128xf32, #tpu.memory_space<hbm>>) dst(%arg9 : memref<80x128xf32, #tpu.memory_space<vmem>>)
        %ge3A = arith.constant 1 : i32
        %ge3A_77 = arith.cmpi sge, %scan3A_37, %ge3A : i32
        %convert_element_type3A_78 = arith.extui %ge3A_77 : i1 to i32
        %cond3A_79 = arith.constant 0 : i32
        %cond3A_80 = arith.cmpi ne, %convert_element_type3A_78, %cond3A_79 : i32
        scf.if %cond3A_80 {
          %sub3A = arith.constant 1 : i32
          %sub3A_95 = arith.subi %scan3A_37, %sub3A : i32
          %dma_wait3A_96 = arith.constant 0 : i32
          %dma_wait3A_97 = tpu.memref_slice %arg8[%sub3A_95, %dma_wait3A_96] : memref<125x80xi32, #tpu.memory_space<vmem>> -> memref<1x80xi32, #tpu.memory_space<vmem>>
          %dma_wait3A_98 = tpu.memref_squeeze %dma_wait3A_97 : memref<1x80xi32, #tpu.memory_space<vmem>> -> memref<80xi32, #tpu.memory_space<vmem>>
          %dma_wait3A_99 = arith.constant 0 : i32
          %dma_wait3A_100 = arith.constant 0 : i32
          %dma_wait3A_101 = tpu.memref_slice %arg11[%dma_wait3A_99, %dma_wait3A_100] : memref<10240x128xf32, #tpu.memory_space<vmem_shared>> -> memref<10240x128xf32, #tpu.memory_space<vmem_shared>>
          tpu.wait_indirect_dma semaphore(%arg15 : memref<!tpu.dma_semaphore, #tpu.memory_space<semaphore_mem>>) src(%arg10 : memref<80x128xf32, #tpu.memory_space<vmem>>) dst(%dma_wait3A_101 : memref<10240x128xf32, #tpu.memory_space<vmem_shared>>)
        } else {
        }
        %add3A_81 = arith.constant 1 : i32
        %add3A_82 = arith.addi %scan3A_37, %add3A_81 : i32
        %mul3A_83 = arith.constant 80 : i32
        %mul3A_84 = arith.muli %add3A_82, %mul3A_83 : i32
        %dma_start3A_85 = tpu.memref_slice %arg7[%mul3A_84] : memref<10080xi32, #tpu.memory_space<vmem>> -> memref<80xi32, #tpu.memory_space<vmem>>
        %dma_start3A_86 = arith.constant 0 : i32
        %dma_start3A_87 = arith.constant 0 : i32
        %dma_start3A_88 = tpu.memref_slice %arg2[%dma_start3A_86, %dma_start3A_87] : memref<10000x128xf32, #tpu.memory_space<hbm>> -> memref<10000x128xf32, #tpu.memory_space<hbm>>
        tpu.enqueue_indirect_dma source(%dma_start3A_88 : memref<10000x128xf32, #tpu.memory_space<hbm>>) target(%arg10 : memref<80x128xf32, #tpu.memory_space<vmem>>) offsets(%dma_start3A_85 : memref<80xi32, #tpu.memory_space<vmem>>) semaphore(%arg13 : memref<!tpu.dma_semaphore, #tpu.memory_space<semaphore_mem>>)
        %dma_start3A_89 = arith.constant 0 : i32
        %dma_start3A_90 = tpu.memref_slice %arg8[%scan3A_37, %dma_start3A_89] : memref<125x80xi32, #tpu.memory_space<vmem>> -> memref<1x80xi32, #tpu.memory_space<vmem>>
        %dma_start3A_91 = tpu.memref_squeeze %dma_start3A_90 : memref<1x80xi32, #tpu.memory_space<vmem>> -> memref<80xi32, #tpu.memory_space<vmem>>
        %dma_start3A_92 = arith.constant 0 : i32
        %dma_start3A_93 = arith.constant 0 : i32
        %dma_start3A_94 = tpu.memref_slice %arg11[%dma_start3A_92, %dma_start3A_93] : memref<10240x128xf32, #tpu.memory_space<vmem_shared>> -> memref<10240x128xf32, #tpu.memory_space<vmem_shared>>
        tpu.enqueue_indirect_dma source(%arg9 : memref<80x128xf32, #tpu.memory_space<vmem>>) target(%dma_start3A_94 : memref<10240x128xf32, #tpu.memory_space<vmem_shared>>) offsets(%dma_start3A_91 : memref<80xi32, #tpu.memory_space<vmem>>) semaphore(%arg14 : memref<!tpu.dma_semaphore, #tpu.memory_space<semaphore_mem>>) {add = true}
      } else {
      }
      %jit3A_50 = arith.constant 2 : i32
      %eq3A_51 = arith.constant 0 : i32
      %eq3A_52 = arith.cmpi eq, %jit3A_50, %eq3A_51 : i32
      %jit3A_53 = arith.constant 1 : i32
      %select_n3A_54 = arith.select %eq3A_52, %jit3A_53, %jit3A_50 : i32
      %rem3A_55 = arith.remsi %scan3A_37, %select_n3A_54 : i32
      %ne3A_56 = arith.constant 0 : i32
      %ne3A_57 = arith.cmpi ne, %rem3A_55, %ne3A_56 : i32
      %lt3A_58 = arith.constant 0 : i32
      %lt3A_59 = arith.cmpi slt, %rem3A_55, %lt3A_58 : i32
      %lt3A_60 = arith.constant 0 : i32
      %lt3A_61 = arith.cmpi slt, %select_n3A_54, %lt3A_60 : i32
      %ne3A_62 = arith.xori %lt3A_59, %lt3A_61 : i1
      %and3A_63 = arith.andi %ne3A_62, %ne3A_57 : i1
      %add3A_64 = arith.addi %rem3A_55, %select_n3A_54 : i32
      %select_n3A_65 = arith.select %and3A_63, %add3A_64, %rem3A_55 : i32
      %eq3A_66 = arith.constant 1 : i32
      %eq3A_67 = arith.cmpi eq, %select_n3A_65, %eq3A_66 : i32
      %convert_element_type3A_68 = arith.extui %eq3A_67 : i1 to i32
      %cond3A_69 = arith.constant 0 : i32
      %cond3A_70 = arith.cmpi ne, %convert_element_type3A_68, %cond3A_69 : i32
      scf.if %cond3A_70 {
        %mul3A_71 = arith.constant 80 : i32
        %mul3A_72 = arith.muli %scan3A_37, %mul3A_71 : i32
        %dma_wait3A_73 = tpu.memref_slice %arg7[%mul3A_72] : memref<10080xi32, #tpu.memory_space<vmem>> -> memref<80xi32, #tpu.memory_space<vmem>>
        %dma_wait3A_74 = arith.constant 0 : i32
        %dma_wait3A_75 = arith.constant 0 : i32
        %dma_wait3A_76 = tpu.memref_slice %arg2[%dma_wait3A_74, %dma_wait3A_75] : memref<10000x128xf32, #tpu.memory_space<hbm>> -> memref<10000x128xf32, #tpu.memory_space<hbm>>
        tpu.wait_indirect_dma semaphore(%arg13 : memref<!tpu.dma_semaphore, #tpu.memory_space<semaphore_mem>>) src(%dma_wait3A_76 : memref<10000x128xf32, #tpu.memory_space<hbm>>) dst(%arg10 : memref<80x128xf32, #tpu.memory_space<vmem>>)
        %ge3A = arith.constant 1 : i32
        %ge3A_77 = arith.cmpi sge, %scan3A_37, %ge3A : i32
        %convert_element_type3A_78 = arith.extui %ge3A_77 : i1 to i32
        %cond3A_79 = arith.constant 0 : i32
        %cond3A_80 = arith.cmpi ne, %convert_element_type3A_78, %cond3A_79 : i32
        scf.if %cond3A_80 {
          %sub3A = arith.constant 1 : i32
          %sub3A_95 = arith.subi %scan3A_37, %sub3A : i32
          %dma_wait3A_96 = arith.constant 0 : i32
          %dma_wait3A_97 = tpu.memref_slice %arg8[%sub3A_95, %dma_wait3A_96] : memref<125x80xi32, #tpu.memory_space<vmem>> -> memref<1x80xi32, #tpu.memory_space<vmem>>
          %dma_wait3A_98 = tpu.memref_squeeze %dma_wait3A_97 : memref<1x80xi32, #tpu.memory_space<vmem>> -> memref<80xi32, #tpu.memory_space<vmem>>
          %dma_wait3A_99 = arith.constant 0 : i32
          %dma_wait3A_100 = arith.constant 0 : i32
          %dma_wait3A_101 = tpu.memref_slice %arg11[%dma_wait3A_99, %dma_wait3A_100] : memref<10240x128xf32, #tpu.memory_space<vmem_shared>> -> memref<10240x128xf32, #tpu.memory_space<vmem_shared>>
          tpu.wait_indirect_dma semaphore(%arg14 : memref<!tpu.dma_semaphore, #tpu.memory_space<semaphore_mem>>) src(%arg9 : memref<80x128xf32, #tpu.memory_space<vmem>>) dst(%dma_wait3A_101 : memref<10240x128xf32, #tpu.memory_space<vmem_shared>>)
        } else {
        }
        %add3A_81 = arith.constant 1 : i32
        %add3A_82 = arith.addi %scan3A_37, %add3A_81 : i32
        %mul3A_83 = arith.constant 80 : i32
        %mul3A_84 = arith.muli %add3A_82, %mul3A_83 : i32
        %dma_start3A_85 = tpu.memref_slice %arg7[%mul3A_84] : memref<10080xi32, #tpu.memory_space<vmem>> -> memref<80xi32, #tpu.memory_space<vmem>>
        %dma_start3A_86 = arith.constant 0 : i32
        %dma_start3A_87 = arith.constant 0 : i32
        %dma_start3A_88 = tpu.memref_slice %arg2[%dma_start3A_86, %dma_start3A_87] : memref<10000x128xf32, #tpu.memory_space<hbm>> -> memref<10000x128xf32, #tpu.memory_space<hbm>>
        tpu.enqueue_indirect_dma source(%dma_start3A_88 : memref<10000x128xf32, #tpu.memory_space<hbm>>) target(%arg9 : memref<80x128xf32, #tpu.memory_space<vmem>>) offsets(%dma_start3A_85 : memref<80xi32, #tpu.memory_space<vmem>>) semaphore(%arg12 : memref<!tpu.dma_semaphore, #tpu.memory_space<semaphore_mem>>)
        %dma_start3A_89 = arith.constant 0 : i32
        %dma_start3A_90 = tpu.memref_slice %arg8[%scan3A_37, %dma_start3A_89] : memref<125x80xi32, #tpu.memory_space<vmem>> -> memref<1x80xi32, #tpu.memory_space<vmem>>
        %dma_start3A_91 = tpu.memref_squeeze %dma_start3A_90 : memref<1x80xi32, #tpu.memory_space<vmem>> -> memref<80xi32, #tpu.memory_space<vmem>>
        %dma_start3A_92 = arith.constant 0 : i32
        %dma_start3A_93 = arith.constant 0 : i32
        %dma_start3A_94 = tpu.memref_slice %arg11[%dma_start3A_92, %dma_start3A_93] : memref<10240x128xf32, #tpu.memory_space<vmem_shared>> -> memref<10240x128xf32, #tpu.memory_space<vmem_shared>>
        tpu.enqueue_indirect_dma source(%arg10 : memref<80x128xf32, #tpu.memory_space<vmem>>) target(%dma_start3A_94 : memref<10240x128xf32, #tpu.memory_space<vmem_shared>>) offsets(%dma_start3A_91 : memref<80xi32, #tpu.memory_space<vmem>>) semaphore(%arg15 : memref<!tpu.dma_semaphore, #tpu.memory_space<semaphore_mem>>) {add = true}
      } else {
      }
    }
    %scan3A_17 = arith.constant 125 : i32
    %dma_wait3A = arith.constant 124 : i32
    %dma_wait3A_18 = arith.constant 0 : i32
    %dma_wait3A_19 = tpu.memref_slice %arg8[%dma_wait3A, %dma_wait3A_18] : memref<125x80xi32, #tpu.memory_space<vmem>> -> memref<1x80xi32, #tpu.memory_space<vmem>>
    %dma_wait3A_20 = tpu.memref_squeeze %dma_wait3A_19 : memref<1x80xi32, #tpu.memory_space<vmem>> -> memref<80xi32, #tpu.memory_space<vmem>>
    %dma_wait3A_21 = arith.constant 0 : i32
    %dma_wait3A_22 = arith.constant 0 : i32
    %dma_wait3A_23 = tpu.memref_slice %arg11[%dma_wait3A_21, %dma_wait3A_22] : memref<10240x128xf32, #tpu.memory_space<vmem_shared>> -> memref<10240x128xf32, #tpu.memory_space<vmem_shared>>
    tpu.wait_indirect_dma semaphore(%arg14 : memref<!tpu.dma_semaphore, #tpu.memory_space<semaphore_mem>>) src(%arg9 : memref<80x128xf32, #tpu.memory_space<vmem>>) dst(%dma_wait3A_23 : memref<10240x128xf32, #tpu.memory_space<vmem_shared>>)
    %dma_wait3A_24 = arith.constant 10000 : i32
    %dma_wait3A_25 = tpu.memref_slice %arg7[%dma_wait3A_24] : memref<10080xi32, #tpu.memory_space<vmem>> -> memref<80xi32, #tpu.memory_space<vmem>>
    %dma_wait3A_26 = arith.constant 0 : i32
    %dma_wait3A_27 = arith.constant 0 : i32
    %dma_wait3A_28 = tpu.memref_slice %arg2[%dma_wait3A_26, %dma_wait3A_27] : memref<10000x128xf32, #tpu.memory_space<hbm>> -> memref<10000x128xf32, #tpu.memory_space<hbm>>
    tpu.wait_indirect_dma semaphore(%arg13 : memref<!tpu.dma_semaphore, #tpu.memory_space<semaphore_mem>>) src(%dma_wait3A_28 : memref<10000x128xf32, #tpu.memory_space<hbm>>) dst(%arg10 : memref<80x128xf32, #tpu.memory_space<vmem>>)
    %barrier3A_29 = arith.constant 0 : index
    tpu.barrier barrier_id(%barrier3A_29)
    %mul3A_30 = arith.constant 640 : i32
    %mul3A_31 = arith.muli %arg1, %mul3A_30 : i32
    %mul3A_32 = arith.constant 10240 : i32
    %mul3A_33 = arith.muli %arg0, %mul3A_32 : i32
    %mul3A_34 = arith.constant 640 : i32
    %mul3A_35 = arith.muli %arg1, %mul3A_34 : i32
    %add3A_36 = arith.addi %mul3A_33, %mul3A_35 : i32
    "tpu.region"() ({
      %run_scoped3A = tpu.sem_alloc : memref<!tpu.dma_semaphore, #tpu.memory_space<semaphore_mem>>
      %dma_start3A_37 = arith.constant 0 : i32
      %dma_start3A_38 = tpu.memref_slice %arg6[%add3A_36, %dma_start3A_37] : memref<20480x128xf32, #tpu.memory_space<hbm>> -> memref<640x128xf32, #tpu.memory_space<hbm>>
      %dma_start3A_39 = arith.constant 0 : i32
      %dma_start3A_40 = tpu.memref_slice %arg11[%mul3A_31, %dma_start3A_39] : memref<10240x128xf32, #tpu.memory_space<vmem_shared>> -> memref<640x128xf32, #tpu.memory_space<vmem_shared>>
      tpu.enqueue_dma source(%dma_start3A_40 : memref<640x128xf32, #tpu.memory_space<vmem_shared>>) target(%dma_start3A_38 : memref<640x128xf32, #tpu.memory_space<hbm>>) target_semaphore(%run_scoped3A : memref<!tpu.dma_semaphore, #tpu.memory_space<semaphore_mem>>)
      %dma_wait3A_41 = arith.constant 0 : i32
      %dma_wait3A_42 = tpu.memref_slice %arg6[%add3A_36, %dma_wait3A_41] : memref<20480x128xf32, #tpu.memory_space<hbm>> -> memref<640x128xf32, #tpu.memory_space<hbm>>
      %dma_wait3A_43 = arith.constant 0 : i32
      %dma_wait3A_44 = tpu.memref_slice %arg11[%mul3A_31, %dma_wait3A_43] : memref<10240x128xf32, #tpu.memory_space<vmem_shared>> -> memref<640x128xf32, #tpu.memory_space<vmem_shared>>
      tpu.wait_dma2 semaphore(%run_scoped3A : memref<!tpu.dma_semaphore, #tpu.memory_space<semaphore_mem>>) src(%dma_wait3A_44 : memref<640x128xf32, #tpu.memory_space<vmem_shared>>) dst(%dma_wait3A_42 : memref<640x128xf32, #tpu.memory_space<hbm>>)
      tpu.yield
    }) : () -> ()
    return
  }
}

#map = affine_map<(d0, d1) -> (0, 0)>
#map1 = affine_map<(d0, d1) -> (0)>
#map2 = affine_map<(d0, d1) -> (0, 0, 0)>
module attributes {stable_mosaic.version = 14 : i64} {
  func.func @_sc_agg(%arg0: i32, %arg1: i32, %arg2: memref<10000x128xf32, #tpu.memory_space<hbm>>, %arg3: memref<322560xi32, #tpu.memory_space<hbm>>, %arg4: memref<32x125x80xi32, #tpu.memory_space<hbm>>, %arg5: memref<10240x128xf32, #tpu.memory_space<hbm>>, %arg6: memref<20480x128xf32, #tpu.memory_space<hbm>>, %arg7: memref<10080xi32, #tpu.memory_space<vmem>>, %arg8: memref<125x80xi32, #tpu.memory_space<vmem>>, %arg9: memref<80x128xf32, #tpu.memory_space<vmem>>, %arg10: memref<80x128xf32, #tpu.memory_space<vmem>>, %arg11: memref<10240x128xf32, #tpu.memory_space<vmem_shared>>, %arg12: memref<!tpu.dma_semaphore, #tpu.memory_space<semaphore_mem>>, %arg13: memref<!tpu.dma_semaphore, #tpu.memory_space<semaphore_mem>>, %arg14: memref<!tpu.dma_semaphore, #tpu.memory_space<semaphore_mem>>, %arg15: memref<!tpu.dma_semaphore, #tpu.memory_space<semaphore_mem>>) attributes {dimension_semantics = [#tpu.dimension_semantics<core_parallel>, #tpu.dimension_semantics<subcore_parallel>], iteration_bounds = array<i64: 2, 16>, scalar_prefetch = 0 : i64, scratch_operands = 9 : i64, tpu.core_type = #tpu.core_type<sc_vector_subcore>, window_params = [{transform_indices = #map}, {transform_indices = #map1}, {transform_indices = #map2}, {transform_indices = #map}, {transform_indices = #map}]} {
    %mul3A = arith.constant 16 : i32
    %mul3A_0 = arith.muli %arg0, %mul3A : i32
    %add3A = arith.addi %mul3A_0, %arg1 : i32
    %mul3A_1 = arith.constant 640 : i32
    %mul3A_2 = arith.muli %arg1, %mul3A_1 : i32
    %mul3A_3 = arith.constant 640 : i32
    %mul3A_4 = arith.muli %arg1, %mul3A_3 : i32
    "tpu.region"() ({
      %run_scoped3A = tpu.sem_alloc : memref<!tpu.dma_semaphore, #tpu.memory_space<semaphore_mem>>
      %dma_start3A_37 = arith.constant 0 : i32
      %dma_start3A_38 = tpu.memref_slice %arg11[%mul3A_4, %dma_start3A_37] : memref<10240x128xf32, #tpu.memory_space<vmem_shared>> -> memref<640x128xf32, #tpu.memory_space<vmem_shared>>
      %dma_start3A_39 = arith.constant 0 : i32
      %dma_start3A_40 = tpu.memref_slice %arg5[%mul3A_2, %dma_start3A_39] : memref<10240x128xf32, #tpu.memory_space<hbm>> -> memref<640x128xf32, #tpu.memory_space<hbm>>
      tpu.enqueue_dma source(%dma_start3A_40 : memref<640x128xf32, #tpu.memory_space<hbm>>) target(%dma_start3A_38 : memref<640x128xf32, #tpu.memory_space<vmem_shared>>) target_semaphore(%run_scoped3A : memref<!tpu.dma_semaphore, #tpu.memory_space<semaphore_mem>>)
      %dma_wait3A_41 = arith.constant 0 : i32
      %dma_wait3A_42 = tpu.memref_slice %arg11[%mul3A_4, %dma_wait3A_41] : memref<10240x128xf32, #tpu.memory_space<vmem_shared>> -> memref<640x128xf32, #tpu.memory_space<vmem_shared>>
      %dma_wait3A_43 = arith.constant 0 : i32
      %dma_wait3A_44 = tpu.memref_slice %arg5[%mul3A_2, %dma_wait3A_43] : memref<10240x128xf32, #tpu.memory_space<hbm>> -> memref<640x128xf32, #tpu.memory_space<hbm>>
      tpu.wait_dma2 semaphore(%run_scoped3A : memref<!tpu.dma_semaphore, #tpu.memory_space<semaphore_mem>>) src(%dma_wait3A_44 : memref<640x128xf32, #tpu.memory_space<hbm>>) dst(%dma_wait3A_42 : memref<640x128xf32, #tpu.memory_space<vmem_shared>>)
      tpu.yield
    }) : () -> ()
    %mul3A_5 = arith.constant 126 : i32
    %mul3A_6 = arith.muli %add3A, %mul3A_5 : i32
    %mul3A_7 = arith.constant 80 : i32
    %mul3A_8 = arith.muli %mul3A_6, %mul3A_7 : i32
    "tpu.region"() ({
      %run_scoped3A = tpu.sem_alloc : memref<!tpu.dma_semaphore, #tpu.memory_space<semaphore_mem>>
      %dma_start3A_37 = tpu.memref_slice %arg3[%mul3A_8] : memref<322560xi32, #tpu.memory_space<hbm>> -> memref<10080xi32, #tpu.memory_space<hbm>>
      %dma_start3A_38 = tpu.memref_slice %arg3[%mul3A_8] : memref<322560xi32, #tpu.memory_space<hbm>> -> memref<10080xi32, #tpu.memory_space<hbm>>
      tpu.enqueue_dma source(%dma_start3A_38 : memref<10080xi32, #tpu.memory_space<hbm>>) target(%arg7 : memref<10080xi32, #tpu.memory_space<vmem>>) target_semaphore(%run_scoped3A : memref<!tpu.dma_semaphore, #tpu.memory_space<semaphore_mem>>)
      %dma_wait3A_39 = tpu.memref_slice %arg3[%mul3A_8] : memref<322560xi32, #tpu.memory_space<hbm>> -> memref<10080xi32, #tpu.memory_space<hbm>>
      %dma_wait3A_40 = tpu.memref_slice %arg3[%mul3A_8] : memref<322560xi32, #tpu.memory_space<hbm>> -> memref<10080xi32, #tpu.memory_space<hbm>>
      tpu.wait_dma2 semaphore(%run_scoped3A : memref<!tpu.dma_semaphore, #tpu.memory_space<semaphore_mem>>) src(%dma_wait3A_40 : memref<10080xi32, #tpu.memory_space<hbm>>) dst(%arg7 : memref<10080xi32, #tpu.memory_space<vmem>>)
      tpu.yield
    }) : () -> ()
    "tpu.region"() ({
      %run_scoped3A = tpu.sem_alloc : memref<!tpu.dma_semaphore, #tpu.memory_space<semaphore_mem>>
      %dma_start3A_37 = arith.constant 0 : i32
      %dma_start3A_38 = arith.constant 0 : i32
      %dma_start3A_39 = tpu.memref_slice %arg4[%add3A, %dma_start3A_37, %dma_start3A_38] : memref<32x125x80xi32, #tpu.memory_space<hbm>> -> memref<1x125x80xi32, #tpu.memory_space<hbm>>
      %dma_start3A_40 = tpu.memref_squeeze %dma_start3A_39 : memref<1x125x80xi32, #tpu.memory_space<hbm>> -> memref<125x80xi32, #tpu.memory_space<hbm>>
      %dma_start3A_41 = arith.constant 0 : i32
      %dma_start3A_42 = arith.constant 0 : i32
      %dma_start3A_43 = tpu.memref_slice %arg4[%add3A, %dma_start3A_41, %dma_start3A_42] : memref<32x125x80xi32, #tpu.memory_space<hbm>> -> memref<1x125x80xi32, #tpu.memory_space<hbm>>
      %dma_start3A_44 = tpu.memref_squeeze %dma_start3A_43 : memref<1x125x80xi32, #tpu.memory_space<hbm>> -> memref<125x80xi32, #tpu.memory_space<hbm>>
      tpu.enqueue_dma source(%dma_start3A_44 : memref<125x80xi32, #tpu.memory_space<hbm>>) target(%arg8 : memref<125x80xi32, #tpu.memory_space<vmem>>) target_semaphore(%run_scoped3A : memref<!tpu.dma_semaphore, #tpu.memory_space<semaphore_mem>>)
      %dma_wait3A_45 = arith.constant 0 : i32
      %dma_wait3A_46 = arith.constant 0 : i32
      %dma_wait3A_47 = tpu.memref_slice %arg4[%add3A, %dma_wait3A_45, %dma_wait3A_46] : memref<32x125x80xi32, #tpu.memory_space<hbm>> -> memref<1x125x80xi32, #tpu.memory_space<hbm>>
      %dma_wait3A_48 = tpu.memref_squeeze %dma_wait3A_47 : memref<1x125x80xi32, #tpu.memory_space<hbm>> -> memref<125x80xi32, #tpu.memory_space<hbm>>
      %dma_wait3A_49 = arith.constant 0 : i32
      %dma_wait3A_50 = arith.constant 0 : i32
      %dma_wait3A_51 = tpu.memref_slice %arg4[%add3A, %dma_wait3A_49, %dma_wait3A_50] : memref<32x125x80xi32, #tpu.memory_space<hbm>> -> memref<1x125x80xi32, #tpu.memory_space<hbm>>
      %dma_wait3A_52 = tpu.memref_squeeze %dma_wait3A_51 : memref<1x125x80xi32, #tpu.memory_space<hbm>> -> memref<125x80xi32, #tpu.memory_space<hbm>>
      tpu.wait_dma2 semaphore(%run_scoped3A : memref<!tpu.dma_semaphore, #tpu.memory_space<semaphore_mem>>) src(%dma_wait3A_52 : memref<125x80xi32, #tpu.memory_space<hbm>>) dst(%arg8 : memref<125x80xi32, #tpu.memory_space<vmem>>)
      tpu.yield
    }) : () -> ()
    %barrier3A = arith.constant 0 : index
    tpu.barrier barrier_id(%barrier3A)
    %dma_start3A = arith.constant 0 : i32
    %dma_start3A_9 = tpu.memref_slice %arg7[%dma_start3A] : memref<10080xi32, #tpu.memory_space<vmem>> -> memref<80xi32, #tpu.memory_space<vmem>>
    %dma_start3A_10 = arith.constant 0 : i32
    %dma_start3A_11 = arith.constant 0 : i32
    %dma_start3A_12 = tpu.memref_slice %arg2[%dma_start3A_10, %dma_start3A_11] : memref<10000x128xf32, #tpu.memory_space<hbm>> -> memref<10000x128xf32, #tpu.memory_space<hbm>>
    tpu.enqueue_indirect_dma source(%dma_start3A_12 : memref<10000x128xf32, #tpu.memory_space<hbm>>) target(%arg9 : memref<80x128xf32, #tpu.memory_space<vmem>>) offsets(%dma_start3A_9 : memref<80xi32, #tpu.memory_space<vmem>>) semaphore(%arg12 : memref<!tpu.dma_semaphore, #tpu.memory_space<semaphore_mem>>)
    %scan3A = arith.constant 0 : i32
    %scan3A_13 = arith.constant 0 : i32
    %scan3A_14 = arith.constant 125 : i32
    %scan3A_15 = arith.addi %scan3A_13, %scan3A_14 : i32
    %scan3A_16 = arith.constant 1 : i32
    scf.for %scan3A_37 = %scan3A_13 to %scan3A_15 step %scan3A_16  : i32 {
      %jit3A = arith.constant 2 : i32
      %eq3A = arith.constant 0 : i32
      %eq3A_38 = arith.cmpi eq, %jit3A, %eq3A : i32
      %jit3A_39 = arith.constant 1 : i32
      %select_n3A = arith.select %eq3A_38, %jit3A_39, %jit3A : i32
      %rem3A = arith.remsi %scan3A_37, %select_n3A : i32
      %ne3A = arith.constant 0 : i32
      %ne3A_40 = arith.cmpi ne, %rem3A, %ne3A : i32
      %lt3A = arith.constant 0 : i32
      %lt3A_41 = arith.cmpi slt, %rem3A, %lt3A : i32
      %lt3A_42 = arith.constant 0 : i32
      %lt3A_43 = arith.cmpi slt, %select_n3A, %lt3A_42 : i32
      %ne3A_44 = arith.xori %lt3A_41, %lt3A_43 : i1
      %and3A = arith.andi %ne3A_44, %ne3A_40 : i1
      %add3A_45 = arith.addi %rem3A, %select_n3A : i32
      %select_n3A_46 = arith.select %and3A, %add3A_45, %rem3A : i32
      %eq3A_47 = arith.constant 0 : i32
      %eq3A_48 = arith.cmpi eq, %select_n3A_46, %eq3A_47 : i32
      %convert_element_type3A = arith.extui %eq3A_48 : i1 to i32
      %cond3A = arith.constant 0 : i32
      %cond3A_49 = arith.cmpi ne, %convert_element_type3A, %cond3A : i32
      scf.if %cond3A_49 {
        %mul3A_71 = arith.constant 80 : i32
        %mul3A_72 = arith.muli %scan3A_37, %mul3A_71 : i32
        %dma_wait3A_73 = tpu.memref_slice %arg7[%mul3A_72] : memref<10080xi32, #tpu.memory_space<vmem>> -> memref<80xi32, #tpu.memory_space<vmem>>
        %dma_wait3A_74 = arith.constant 0 : i32
        %dma_wait3A_75 = arith.constant 0 : i32
        %dma_wait3A_76 = tpu.memref_slice %arg2[%dma_wait3A_74, %dma_wait3A_75] : memref<10000x128xf32, #tpu.memory_space<hbm>> -> memref<10000x128xf32, #tpu.memory_space<hbm>>
        tpu.wait_indirect_dma semaphore(%arg12 : memref<!tpu.dma_semaphore, #tpu.memory_space<semaphore_mem>>) src(%dma_wait3A_76 : memref<10000x128xf32, #tpu.memory_space<hbm>>) dst(%arg9 : memref<80x128xf32, #tpu.memory_space<vmem>>)
        %ge3A = arith.constant 1 : i32
        %ge3A_77 = arith.cmpi sge, %scan3A_37, %ge3A : i32
        %convert_element_type3A_78 = arith.extui %ge3A_77 : i1 to i32
        %cond3A_79 = arith.constant 0 : i32
        %cond3A_80 = arith.cmpi ne, %convert_element_type3A_78, %cond3A_79 : i32
        scf.if %cond3A_80 {
          %sub3A = arith.constant 1 : i32
          %sub3A_95 = arith.subi %scan3A_37, %sub3A : i32
          %dma_wait3A_96 = arith.constant 0 : i32
          %dma_wait3A_97 = tpu.memref_slice %arg8[%sub3A_95, %dma_wait3A_96] : memref<125x80xi32, #tpu.memory_space<vmem>> -> memref<1x80xi32, #tpu.memory_space<vmem>>
          %dma_wait3A_98 = tpu.memref_squeeze %dma_wait3A_97 : memref<1x80xi32, #tpu.memory_space<vmem>> -> memref<80xi32, #tpu.memory_space<vmem>>
          %dma_wait3A_99 = arith.constant 0 : i32
          %dma_wait3A_100 = arith.constant 0 : i32
          %dma_wait3A_101 = tpu.memref_slice %arg11[%dma_wait3A_99, %dma_wait3A_100] : memref<10240x128xf32, #tpu.memory_space<vmem_shared>> -> memref<10240x128xf32, #tpu.memory_space<vmem_shared>>
          tpu.wait_indirect_dma semaphore(%arg15 : memref<!tpu.dma_semaphore, #tpu.memory_space<semaphore_mem>>) src(%arg10 : memref<80x128xf32, #tpu.memory_space<vmem>>) dst(%dma_wait3A_101 : memref<10240x128xf32, #tpu.memory_space<vmem_shared>>)
        } else {
        }
        %add3A_81 = arith.constant 1 : i32
        %add3A_82 = arith.addi %scan3A_37, %add3A_81 : i32
        %mul3A_83 = arith.constant 80 : i32
        %mul3A_84 = arith.muli %add3A_82, %mul3A_83 : i32
        %dma_start3A_85 = tpu.memref_slice %arg7[%mul3A_84] : memref<10080xi32, #tpu.memory_space<vmem>> -> memref<80xi32, #tpu.memory_space<vmem>>
        %dma_start3A_86 = arith.constant 0 : i32
        %dma_start3A_87 = arith.constant 0 : i32
        %dma_start3A_88 = tpu.memref_slice %arg2[%dma_start3A_86, %dma_start3A_87] : memref<10000x128xf32, #tpu.memory_space<hbm>> -> memref<10000x128xf32, #tpu.memory_space<hbm>>
        tpu.enqueue_indirect_dma source(%dma_start3A_88 : memref<10000x128xf32, #tpu.memory_space<hbm>>) target(%arg10 : memref<80x128xf32, #tpu.memory_space<vmem>>) offsets(%dma_start3A_85 : memref<80xi32, #tpu.memory_space<vmem>>) semaphore(%arg13 : memref<!tpu.dma_semaphore, #tpu.memory_space<semaphore_mem>>)
        %dma_start3A_89 = arith.constant 0 : i32
        %dma_start3A_90 = tpu.memref_slice %arg8[%scan3A_37, %dma_start3A_89] : memref<125x80xi32, #tpu.memory_space<vmem>> -> memref<1x80xi32, #tpu.memory_space<vmem>>
        %dma_start3A_91 = tpu.memref_squeeze %dma_start3A_90 : memref<1x80xi32, #tpu.memory_space<vmem>> -> memref<80xi32, #tpu.memory_space<vmem>>
        %dma_start3A_92 = arith.constant 0 : i32
        %dma_start3A_93 = arith.constant 0 : i32
        %dma_start3A_94 = tpu.memref_slice %arg11[%dma_start3A_92, %dma_start3A_93] : memref<10240x128xf32, #tpu.memory_space<vmem_shared>> -> memref<10240x128xf32, #tpu.memory_space<vmem_shared>>
        tpu.enqueue_indirect_dma source(%arg9 : memref<80x128xf32, #tpu.memory_space<vmem>>) target(%dma_start3A_94 : memref<10240x128xf32, #tpu.memory_space<vmem_shared>>) offsets(%dma_start3A_91 : memref<80xi32, #tpu.memory_space<vmem>>) semaphore(%arg14 : memref<!tpu.dma_semaphore, #tpu.memory_space<semaphore_mem>>) {add = true}
      } else {
      }
      %jit3A_50 = arith.constant 2 : i32
      %eq3A_51 = arith.constant 0 : i32
      %eq3A_52 = arith.cmpi eq, %jit3A_50, %eq3A_51 : i32
      %jit3A_53 = arith.constant 1 : i32
      %select_n3A_54 = arith.select %eq3A_52, %jit3A_53, %jit3A_50 : i32
      %rem3A_55 = arith.remsi %scan3A_37, %select_n3A_54 : i32
      %ne3A_56 = arith.constant 0 : i32
      %ne3A_57 = arith.cmpi ne, %rem3A_55, %ne3A_56 : i32
      %lt3A_58 = arith.constant 0 : i32
      %lt3A_59 = arith.cmpi slt, %rem3A_55, %lt3A_58 : i32
      %lt3A_60 = arith.constant 0 : i32
      %lt3A_61 = arith.cmpi slt, %select_n3A_54, %lt3A_60 : i32
      %ne3A_62 = arith.xori %lt3A_59, %lt3A_61 : i1
      %and3A_63 = arith.andi %ne3A_62, %ne3A_57 : i1
      %add3A_64 = arith.addi %rem3A_55, %select_n3A_54 : i32
      %select_n3A_65 = arith.select %and3A_63, %add3A_64, %rem3A_55 : i32
      %eq3A_66 = arith.constant 1 : i32
      %eq3A_67 = arith.cmpi eq, %select_n3A_65, %eq3A_66 : i32
      %convert_element_type3A_68 = arith.extui %eq3A_67 : i1 to i32
      %cond3A_69 = arith.constant 0 : i32
      %cond3A_70 = arith.cmpi ne, %convert_element_type3A_68, %cond3A_69 : i32
      scf.if %cond3A_70 {
        %mul3A_71 = arith.constant 80 : i32
        %mul3A_72 = arith.muli %scan3A_37, %mul3A_71 : i32
        %dma_wait3A_73 = tpu.memref_slice %arg7[%mul3A_72] : memref<10080xi32, #tpu.memory_space<vmem>> -> memref<80xi32, #tpu.memory_space<vmem>>
        %dma_wait3A_74 = arith.constant 0 : i32
        %dma_wait3A_75 = arith.constant 0 : i32
        %dma_wait3A_76 = tpu.memref_slice %arg2[%dma_wait3A_74, %dma_wait3A_75] : memref<10000x128xf32, #tpu.memory_space<hbm>> -> memref<10000x128xf32, #tpu.memory_space<hbm>>
        tpu.wait_indirect_dma semaphore(%arg13 : memref<!tpu.dma_semaphore, #tpu.memory_space<semaphore_mem>>) src(%dma_wait3A_76 : memref<10000x128xf32, #tpu.memory_space<hbm>>) dst(%arg10 : memref<80x128xf32, #tpu.memory_space<vmem>>)
        %ge3A = arith.constant 1 : i32
        %ge3A_77 = arith.cmpi sge, %scan3A_37, %ge3A : i32
        %convert_element_type3A_78 = arith.extui %ge3A_77 : i1 to i32
        %cond3A_79 = arith.constant 0 : i32
        %cond3A_80 = arith.cmpi ne, %convert_element_type3A_78, %cond3A_79 : i32
        scf.if %cond3A_80 {
          %sub3A = arith.constant 1 : i32
          %sub3A_95 = arith.subi %scan3A_37, %sub3A : i32
          %dma_wait3A_96 = arith.constant 0 : i32
          %dma_wait3A_97 = tpu.memref_slice %arg8[%sub3A_95, %dma_wait3A_96] : memref<125x80xi32, #tpu.memory_space<vmem>> -> memref<1x80xi32, #tpu.memory_space<vmem>>
          %dma_wait3A_98 = tpu.memref_squeeze %dma_wait3A_97 : memref<1x80xi32, #tpu.memory_space<vmem>> -> memref<80xi32, #tpu.memory_space<vmem>>
          %dma_wait3A_99 = arith.constant 0 : i32
          %dma_wait3A_100 = arith.constant 0 : i32
          %dma_wait3A_101 = tpu.memref_slice %arg11[%dma_wait3A_99, %dma_wait3A_100] : memref<10240x128xf32, #tpu.memory_space<vmem_shared>> -> memref<10240x128xf32, #tpu.memory_space<vmem_shared>>
          tpu.wait_indirect_dma semaphore(%arg14 : memref<!tpu.dma_semaphore, #tpu.memory_space<semaphore_mem>>) src(%arg9 : memref<80x128xf32, #tpu.memory_space<vmem>>) dst(%dma_wait3A_101 : memref<10240x128xf32, #tpu.memory_space<vmem_shared>>)
        } else {
        }
        %add3A_81 = arith.constant 1 : i32
        %add3A_82 = arith.addi %scan3A_37, %add3A_81 : i32
        %mul3A_83 = arith.constant 80 : i32
        %mul3A_84 = arith.muli %add3A_82, %mul3A_83 : i32
        %dma_start3A_85 = tpu.memref_slice %arg7[%mul3A_84] : memref<10080xi32, #tpu.memory_space<vmem>> -> memref<80xi32, #tpu.memory_space<vmem>>
        %dma_start3A_86 = arith.constant 0 : i32
        %dma_start3A_87 = arith.constant 0 : i32
        %dma_start3A_88 = tpu.memref_slice %arg2[%dma_start3A_86, %dma_start3A_87] : memref<10000x128xf32, #tpu.memory_space<hbm>> -> memref<10000x128xf32, #tpu.memory_space<hbm>>
        tpu.enqueue_indirect_dma source(%dma_start3A_88 : memref<10000x128xf32, #tpu.memory_space<hbm>>) target(%arg9 : memref<80x128xf32, #tpu.memory_space<vmem>>) offsets(%dma_start3A_85 : memref<80xi32, #tpu.memory_space<vmem>>) semaphore(%arg12 : memref<!tpu.dma_semaphore, #tpu.memory_space<semaphore_mem>>)
        %dma_start3A_89 = arith.constant 0 : i32
        %dma_start3A_90 = tpu.memref_slice %arg8[%scan3A_37, %dma_start3A_89] : memref<125x80xi32, #tpu.memory_space<vmem>> -> memref<1x80xi32, #tpu.memory_space<vmem>>
        %dma_start3A_91 = tpu.memref_squeeze %dma_start3A_90 : memref<1x80xi32, #tpu.memory_space<vmem>> -> memref<80xi32, #tpu.memory_space<vmem>>
        %dma_start3A_92 = arith.constant 0 : i32
        %dma_start3A_93 = arith.constant 0 : i32
        %dma_start3A_94 = tpu.memref_slice %arg11[%dma_start3A_92, %dma_start3A_93] : memref<10240x128xf32, #tpu.memory_space<vmem_shared>> -> memref<10240x128xf32, #tpu.memory_space<vmem_shared>>
        tpu.enqueue_indirect_dma source(%arg10 : memref<80x128xf32, #tpu.memory_space<vmem>>) target(%dma_start3A_94 : memref<10240x128xf32, #tpu.memory_space<vmem_shared>>) offsets(%dma_start3A_91 : memref<80xi32, #tpu.memory_space<vmem>>) semaphore(%arg15 : memref<!tpu.dma_semaphore, #tpu.memory_space<semaphore_mem>>) {add = true}
      } else {
      }
    }
    %scan3A_17 = arith.constant 125 : i32
    %dma_wait3A = arith.constant 124 : i32
    %dma_wait3A_18 = arith.constant 0 : i32
    %dma_wait3A_19 = tpu.memref_slice %arg8[%dma_wait3A, %dma_wait3A_18] : memref<125x80xi32, #tpu.memory_space<vmem>> -> memref<1x80xi32, #tpu.memory_space<vmem>>
    %dma_wait3A_20 = tpu.memref_squeeze %dma_wait3A_19 : memref<1x80xi32, #tpu.memory_space<vmem>> -> memref<80xi32, #tpu.memory_space<vmem>>
    %dma_wait3A_21 = arith.constant 0 : i32
    %dma_wait3A_22 = arith.constant 0 : i32
    %dma_wait3A_23 = tpu.memref_slice %arg11[%dma_wait3A_21, %dma_wait3A_22] : memref<10240x128xf32, #tpu.memory_space<vmem_shared>> -> memref<10240x128xf32, #tpu.memory_space<vmem_shared>>
    tpu.wait_indirect_dma semaphore(%arg14 : memref<!tpu.dma_semaphore, #tpu.memory_space<semaphore_mem>>) src(%arg9 : memref<80x128xf32, #tpu.memory_space<vmem>>) dst(%dma_wait3A_23 : memref<10240x128xf32, #tpu.memory_space<vmem_shared>>)
    %dma_wait3A_24 = arith.constant 10000 : i32
    %dma_wait3A_25 = tpu.memref_slice %arg7[%dma_wait3A_24] : memref<10080xi32, #tpu.memory_space<vmem>> -> memref<80xi32, #tpu.memory_space<vmem>>
    %dma_wait3A_26 = arith.constant 0 : i32
    %dma_wait3A_27 = arith.constant 0 : i32
    %dma_wait3A_28 = tpu.memref_slice %arg2[%dma_wait3A_26, %dma_wait3A_27] : memref<10000x128xf32, #tpu.memory_space<hbm>> -> memref<10000x128xf32, #tpu.memory_space<hbm>>
    tpu.wait_indirect_dma semaphore(%arg13 : memref<!tpu.dma_semaphore, #tpu.memory_space<semaphore_mem>>) src(%dma_wait3A_28 : memref<10000x128xf32, #tpu.memory_space<hbm>>) dst(%arg10 : memref<80x128xf32, #tpu.memory_space<vmem>>)
    %barrier3A_29 = arith.constant 0 : index
    tpu.barrier barrier_id(%barrier3A_29)
    %mul3A_30 = arith.constant 640 : i32
    %mul3A_31 = arith.muli %arg1, %mul3A_30 : i32
    %mul3A_32 = arith.constant 10240 : i32
    %mul3A_33 = arith.muli %arg0, %mul3A_32 : i32
    %mul3A_34 = arith.constant 640 : i32
    %mul3A_35 = arith.muli %arg1, %mul3A_34 : i32
    %add3A_36 = arith.addi %mul3A_33, %mul3A_35 : i32
    "tpu.region"() ({
      %run_scoped3A = tpu.sem_alloc : memref<!tpu.dma_semaphore, #tpu.memory_space<semaphore_mem>>
      %dma_start3A_37 = arith.constant 0 : i32
      %dma_start3A_38 = tpu.memref_slice %arg6[%add3A_36, %dma_start3A_37] : memref<20480x128xf32, #tpu.memory_space<hbm>> -> memref<640x128xf32, #tpu.memory_space<hbm>>
      %dma_start3A_39 = arith.constant 0 : i32
      %dma_start3A_40 = tpu.memref_slice %arg11[%mul3A_31, %dma_start3A_39] : memref<10240x128xf32, #tpu.memory_space<vmem_shared>> -> memref<640x128xf32, #tpu.memory_space<vmem_shared>>
      tpu.enqueue_dma source(%dma_start3A_40 : memref<640x128xf32, #tpu.memory_space<vmem_shared>>) target(%dma_start3A_38 : memref<640x128xf32, #tpu.memory_space<hbm>>) target_semaphore(%run_scoped3A : memref<!tpu.dma_semaphore, #tpu.memory_space<semaphore_mem>>)
      %dma_wait3A_41 = arith.constant 0 : i32
      %dma_wait3A_42 = tpu.memref_slice %arg6[%add3A_36, %dma_wait3A_41] : memref<20480x128xf32, #tpu.memory_space<hbm>> -> memref<640x128xf32, #tpu.memory_space<hbm>>
      %dma_wait3A_43 = arith.constant 0 : i32
      %dma_wait3A_44 = tpu.memref_slice %arg11[%mul3A_31, %dma_wait3A_43] : memref<10240x128xf32, #tpu.memory_space<vmem_shared>> -> memref<640x128xf32, #tpu.memory_space<vmem_shared>>
      tpu.wait_dma2 semaphore(%run_scoped3A : memref<!tpu.dma_semaphore, #tpu.memory_space<semaphore_mem>>) src(%dma_wait3A_44 : memref<640x128xf32, #tpu.memory_space<vmem_shared>>) dst(%dma_wait3A_42 : memref<640x128xf32, #tpu.memory_space<hbm>>)
      tpu.yield
    }) : () -> ()
    return
  }
}

module attributes {stable_mosaic.version = 14 : i64} {
  func.func @body(%arg0: memref<10000x128xf32, #tpu.memory_space<vmem>>, %arg1: memref<20480x128xf32, #tpu.memory_space<vmem>>, %arg2: memref<20480x1xf32, #tpu.memory_space<vmem>>, %arg3: memref<128x128xf32, #tpu.memory_space<vmem>>, %arg4: memref<128x128xf32, #tpu.memory_space<vmem>>, %arg5: memref<1x128xf32, #tpu.memory_space<vmem>>, %arg6: memref<1x128xf32, #tpu.memory_space<vmem>>, %arg7: memref<1x128xf32, #tpu.memory_space<vmem>>, %arg8: memref<10000x128xf32, #tpu.memory_space<vmem>>) attributes {dimension_semantics = [], scalar_prefetch = 0 : i64, scratch_operands = 0 : i64, tpu.core_type = #tpu.core_type<tc>} {
    %get3A = arith.constant 0 : index
    %get3A_0 = arith.constant 0 : index
    %get3A_1 = vector.load %arg2[%get3A, %get3A_0] : memref<20480x1xf32, #tpu.memory_space<vmem>>, vector<10000x1xf32>
    %get3A_2 = arith.constant 10240 : index
    %get3A_3 = arith.constant 0 : index
    %get3A_4 = vector.load %arg2[%get3A_2, %get3A_3] : memref<20480x1xf32, #tpu.memory_space<vmem>>, vector<10000x1xf32>
    %add3A = arith.addf %get3A_1, %get3A_4 : vector<10000x1xf32>
    %get3A_5 = arith.constant 0 : index
    %get3A_6 = arith.constant 0 : index
    %get3A_7 = vector.load %arg1[%get3A_5, %get3A_6] : memref<20480x128xf32, #tpu.memory_space<vmem>>, vector<10000x128xf32>
    %get3A_8 = arith.constant 10240 : index
    %get3A_9 = arith.constant 0 : index
    %get3A_10 = vector.load %arg1[%get3A_8, %get3A_9] : memref<20480x128xf32, #tpu.memory_space<vmem>>, vector<10000x128xf32>
    %add3A_11 = arith.addf %get3A_7, %get3A_10 : vector<10000x128xf32>
    %max3A = arith.constant 1.000000e+00 : f32
    %max3A_12 = vector.broadcast %max3A : f32 to vector<10000x1xf32>
    %max3A_13 = arith.maximumf %add3A, %max3A_12 : vector<10000x1xf32>
    %div3A = vector.broadcast %max3A_13 : vector<10000x1xf32> to vector<10000x128xf32>
    %div3A_14 = arith.divf %add3A_11, %div3A : vector<10000x128xf32>
    %get3A_15 = arith.constant 0 : index
    %get3A_16 = arith.constant 0 : index
    %get3A_17 = vector.load %arg0[%get3A_15, %get3A_16] : memref<10000x128xf32, #tpu.memory_space<vmem>>, vector<10000x128xf32>
    %get3A_18 = arith.constant 0 : index
    %get3A_19 = arith.constant 0 : index
    %get3A_20 = vector.load %arg3[%get3A_18, %get3A_19] : memref<128x128xf32, #tpu.memory_space<vmem>>, vector<128x128xf32>
    %dot_general3A = arith.constant dense<0.000000e+00> : vector<10000x128xf32>
    %dot_general3A_21 = tpu.matmul %get3A_17, %get3A_20, %dot_general3A {dimension_numbers = #tpu.dot_dimension_numbers<[1], [0], [0], [1], [0, 0, 1, 1], [], []>, transpose_lhs_hint = false} : vector<10000x128xf32>, vector<128x128xf32>, vector<10000x128xf32> -> vector<10000x128xf32>
    %get3A_22 = arith.constant 0 : index
    %get3A_23 = arith.constant 0 : index
    %get3A_24 = vector.load %arg4[%get3A_22, %get3A_23] : memref<128x128xf32, #tpu.memory_space<vmem>>, vector<128x128xf32>
    %dot_general3A_25 = arith.constant dense<0.000000e+00> : vector<10000x128xf32>
    %dot_general3A_26 = tpu.matmul %div3A_14, %get3A_24, %dot_general3A_25 {dimension_numbers = #tpu.dot_dimension_numbers<[1], [0], [0], [1], [0, 0, 1, 1], [], []>, transpose_lhs_hint = false} : vector<10000x128xf32>, vector<128x128xf32>, vector<10000x128xf32> -> vector<10000x128xf32>
    %add3A_27 = arith.addf %dot_general3A_21, %dot_general3A_26 : vector<10000x128xf32>
    %get3A_28 = arith.constant 0 : index
    %get3A_29 = arith.constant 0 : index
    %get3A_30 = vector.load %arg5[%get3A_28, %get3A_29] : memref<1x128xf32, #tpu.memory_space<vmem>>, vector<1x128xf32>
    %add3A_31 = vector.broadcast %get3A_30 : vector<1x128xf32> to vector<10000x128xf32>
    %add3A_32 = arith.addf %add3A_27, %add3A_31 : vector<10000x128xf32>
    %reduce_sum3A = arith.constant dense<0.000000e+00> : vector<128xf32>
    %reduce_sum3A_33 = vector.multi_reduction <add>, %add3A_32, %reduce_sum3A [0] : vector<10000x128xf32> to vector<128xf32>
    %broadcast_in_dim3A = vector.shape_cast %reduce_sum3A_33 : vector<128xf32> to vector<1x128xf32>
    %div3A_34 = arith.constant 1.000000e+04 : f32
    %div3A_35 = vector.broadcast %div3A_34 : f32 to vector<1x128xf32>
    %div3A_36 = arith.divf %broadcast_in_dim3A, %div3A_35 : vector<1x128xf32>
    %sub3A = vector.broadcast %div3A_36 : vector<1x128xf32> to vector<10000x128xf32>
    %sub3A_37 = arith.subf %add3A_32, %sub3A : vector<10000x128xf32>
    %integer_pow3A = arith.mulf %sub3A_37, %sub3A_37 : vector<10000x128xf32>
    %reduce_sum3A_38 = arith.constant dense<0.000000e+00> : vector<128xf32>
    %reduce_sum3A_39 = vector.multi_reduction <add>, %integer_pow3A, %reduce_sum3A_38 [0] : vector<10000x128xf32> to vector<128xf32>
    %broadcast_in_dim3A_40 = vector.shape_cast %reduce_sum3A_39 : vector<128xf32> to vector<1x128xf32>
    %div3A_41 = arith.constant 1.000000e+04 : f32
    %div3A_42 = vector.broadcast %div3A_41 : f32 to vector<1x128xf32>
    %div3A_43 = arith.divf %broadcast_in_dim3A_40, %div3A_42 : vector<1x128xf32>
    %sub3A_44 = vector.broadcast %div3A_36 : vector<1x128xf32> to vector<10000x128xf32>
    %sub3A_45 = arith.subf %add3A_32, %sub3A_44 : vector<10000x128xf32>
    %add3A_46 = arith.constant 9.99999974E-6 : f32
    %add3A_47 = vector.broadcast %add3A_46 : f32 to vector<1x128xf32>
    %add3A_48 = arith.addf %div3A_43, %add3A_47 : vector<1x128xf32>
    %rsqrt3A = math.rsqrt %add3A_48 : vector<1x128xf32>
    %mul3A = vector.broadcast %rsqrt3A : vector<1x128xf32> to vector<10000x128xf32>
    %mul3A_49 = arith.mulf %sub3A_45, %mul3A : vector<10000x128xf32>
    %get3A_50 = arith.constant 0 : index
    %get3A_51 = arith.constant 0 : index
    %get3A_52 = vector.load %arg6[%get3A_50, %get3A_51] : memref<1x128xf32, #tpu.memory_space<vmem>>, vector<1x128xf32>
    %mul3A_53 = vector.broadcast %get3A_52 : vector<1x128xf32> to vector<10000x128xf32>
    %mul3A_54 = arith.mulf %mul3A_49, %mul3A_53 : vector<10000x128xf32>
    %get3A_55 = arith.constant 0 : index
    %get3A_56 = arith.constant 0 : index
    %get3A_57 = vector.load %arg7[%get3A_55, %get3A_56] : memref<1x128xf32, #tpu.memory_space<vmem>>, vector<1x128xf32>
    %add3A_58 = vector.broadcast %get3A_57 : vector<1x128xf32> to vector<10000x128xf32>
    %add3A_59 = arith.addf %mul3A_54, %add3A_58 : vector<10000x128xf32>
    %max3A_60 = arith.constant 0.000000e+00 : f32
    %max3A_61 = vector.broadcast %max3A_60 : f32 to vector<10000x128xf32>
    %max3A_62 = arith.maximumf %add3A_59, %max3A_61 : vector<10000x128xf32>
    %swap3A = arith.constant 0 : index
    %swap3A_63 = arith.constant 0 : index
    %swap3A_64 = vector.load %arg8[%swap3A, %swap3A_63] : memref<10000x128xf32, #tpu.memory_space<vmem>>, vector<10000x128xf32>
    tpu.vector_store %arg8[%swap3A, %swap3A_63], %max3A_62 {strides = array<i32>} : memref<10000x128xf32, #tpu.memory_space<vmem>>, vector<10000x128xf32>,
    return
  }
}

module attributes {stable_mosaic.version = 14 : i64} {
  func.func @body(%arg0: memref<10000x128xf32, #tpu.memory_space<vmem>>, %arg1: memref<20480x128xf32, #tpu.memory_space<vmem>>, %arg2: memref<20480x1xf32, #tpu.memory_space<vmem>>, %arg3: memref<128x128xf32, #tpu.memory_space<vmem>>, %arg4: memref<128x128xf32, #tpu.memory_space<vmem>>, %arg5: memref<1x128xf32, #tpu.memory_space<vmem>>, %arg6: memref<10000x128xf32, #tpu.memory_space<vmem>>) attributes {dimension_semantics = [], scalar_prefetch = 0 : i64, scratch_operands = 0 : i64, tpu.core_type = #tpu.core_type<tc>} {
    %get3A = arith.constant 0 : index
    %get3A_0 = arith.constant 0 : index
    %get3A_1 = vector.load %arg2[%get3A, %get3A_0] : memref<20480x1xf32, #tpu.memory_space<vmem>>, vector<10000x1xf32>
    %get3A_2 = arith.constant 10240 : index
    %get3A_3 = arith.constant 0 : index
    %get3A_4 = vector.load %arg2[%get3A_2, %get3A_3] : memref<20480x1xf32, #tpu.memory_space<vmem>>, vector<10000x1xf32>
    %add3A = arith.addf %get3A_1, %get3A_4 : vector<10000x1xf32>
    %get3A_5 = arith.constant 0 : index
    %get3A_6 = arith.constant 0 : index
    %get3A_7 = vector.load %arg1[%get3A_5, %get3A_6] : memref<20480x128xf32, #tpu.memory_space<vmem>>, vector<10000x128xf32>
    %get3A_8 = arith.constant 10240 : index
    %get3A_9 = arith.constant 0 : index
    %get3A_10 = vector.load %arg1[%get3A_8, %get3A_9] : memref<20480x128xf32, #tpu.memory_space<vmem>>, vector<10000x128xf32>
    %add3A_11 = arith.addf %get3A_7, %get3A_10 : vector<10000x128xf32>
    %max3A = arith.constant 1.000000e+00 : f32
    %max3A_12 = vector.broadcast %max3A : f32 to vector<10000x1xf32>
    %max3A_13 = arith.maximumf %add3A, %max3A_12 : vector<10000x1xf32>
    %div3A = vector.broadcast %max3A_13 : vector<10000x1xf32> to vector<10000x128xf32>
    %div3A_14 = arith.divf %add3A_11, %div3A : vector<10000x128xf32>
    %get3A_15 = arith.constant 0 : index
    %get3A_16 = arith.constant 0 : index
    %get3A_17 = vector.load %arg0[%get3A_15, %get3A_16] : memref<10000x128xf32, #tpu.memory_space<vmem>>, vector<10000x128xf32>
    %get3A_18 = arith.constant 0 : index
    %get3A_19 = arith.constant 0 : index
    %get3A_20 = vector.load %arg3[%get3A_18, %get3A_19] : memref<128x128xf32, #tpu.memory_space<vmem>>, vector<128x128xf32>
    %dot_general3A = arith.constant dense<0.000000e+00> : vector<10000x128xf32>
    %dot_general3A_21 = tpu.matmul %get3A_17, %get3A_20, %dot_general3A {dimension_numbers = #tpu.dot_dimension_numbers<[1], [0], [0], [1], [0, 0, 1, 1], [], []>, transpose_lhs_hint = false} : vector<10000x128xf32>, vector<128x128xf32>, vector<10000x128xf32> -> vector<10000x128xf32>
    %get3A_22 = arith.constant 0 : index
    %get3A_23 = arith.constant 0 : index
    %get3A_24 = vector.load %arg4[%get3A_22, %get3A_23] : memref<128x128xf32, #tpu.memory_space<vmem>>, vector<128x128xf32>
    %dot_general3A_25 = arith.constant dense<0.000000e+00> : vector<10000x128xf32>
    %dot_general3A_26 = tpu.matmul %div3A_14, %get3A_24, %dot_general3A_25 {dimension_numbers = #tpu.dot_dimension_numbers<[1], [0], [0], [1], [0, 0, 1, 1], [], []>, transpose_lhs_hint = false} : vector<10000x128xf32>, vector<128x128xf32>, vector<10000x128xf32> -> vector<10000x128xf32>
    %add3A_27 = arith.addf %dot_general3A_21, %dot_general3A_26 : vector<10000x128xf32>
    %get3A_28 = arith.constant 0 : index
    %get3A_29 = arith.constant 0 : index
    %get3A_30 = vector.load %arg5[%get3A_28, %get3A_29] : memref<1x128xf32, #tpu.memory_space<vmem>>, vector<1x128xf32>
    %add3A_31 = vector.broadcast %get3A_30 : vector<1x128xf32> to vector<10000x128xf32>
    %add3A_32 = arith.addf %add3A_27, %add3A_31 : vector<10000x128xf32>
    %swap3A = arith.constant 0 : index
    %swap3A_33 = arith.constant 0 : index
    %swap3A_34 = vector.load %arg6[%swap3A, %swap3A_33] : memref<10000x128xf32, #tpu.memory_space<vmem>>, vector<10000x128xf32>
    tpu.vector_store %arg6[%swap3A, %swap3A_33], %add3A_32 {strides = array<i32>} : memref<10000x128xf32, #tpu.memory_space<vmem>>, vector<10000x128xf32>,
    return
  }
}

</mosaic_0001>

<sc_bundles>
// kernel: kernel.12.cloned.1.call-start
scs
__scs_entry_jumppad:
0x0: {  	(pc) =	sbr.rel $0x88, $3  }
0x1: {  	(tag) =	ssettag $0x0;
	lr =	simm.s32 $0x1  }
0x2: {  	[smem:$0x3F92] =	sst lr;
	_ =	strace $0xD0000000  }
0x3: {  	_ = 	snop  }
0x4: {  	_ = 	snop  }
0x5: {  	_ = 	snop  }
0x6: {  	_ = 	snop  }
0x7: {  	_ = 	snop  }
__scs_overlays_trampoline_lowered:
0x8: {  	[smem:$0x3FA1] =	sst s0  }
0x9: {  	[smem:$0x3FA2] =	sst s1  }
0xa: {  	[smem:$0x3FA3] =	sst s2  }
0xb: {  	[smem:$0x3FA4] =	sst s3  }
0xc: {  	[smem:$0x3FA5] =	sst s4  }
0xd: {  	[smem:$0x3FA6] =	sst s5  }
0xe: {  	[smem:$0x3FA7] =	sst s6  }
0xf: {  	[smem:$0x3FA8] =	sst s7  }
0x10: {  	[smem:$0x3FA9] =	sst s8  }
0x11: {  	[smem:$0x3FAA] =	sst s9;
	s0 =	simm.s32 @!p0 $0x0  }
0x12: {  	s1 =	sld [smem:$0x3F90];
	s0 =	simm.s32 @p0 $0x1  }
0x13: {  	[smem:$0x3FAB] =	sst s0;
	s0 =	simm.s32 @!p1 $0x0  }
0x14: {  	s2 =	sld [smem:$0x3F8F];
	s0 =	simm.s32 @p1 $0x1  }
0x15: {  	[smem:$0x3FAC] =	sst s0;
	s0 =	simm.s32 @!p2 $0x0  }
0x16: {  	s3 =	sld [smem:$0x3FDB];
	s0 =	simm.s32 @p2 $0x1  }
0x17: {  	s4 =	simm.s32 $0x1BF5;
	[smem:$0x3FAE] =	sst s0  }
0x18: {  	s0 =	sld [smem:$0x3F91];
	_ =	swait.ge [sflag:s4], $0x0  }
0x19: {  	s7 =	sld [smem:$0x3F92]  }
0x1a: {  	s8 =	sadd.s32 $0xFFFFE003, lr  }
0x1b: {  	s9 =	sadd.s32 $0xFFFFFEF7, lr;
	s5 =	simm.s32 $0xFFFFFFFF;
	p2 =	slt.u32 s8, $0xFFFFF086  }
0x1c: {  	p1 =	slt.u32 s9, $0xF7A;
	s5 =	simm.s32 @!p2 $0x0  }
0x1d: {  	s5 =	simm.s32 @p1 $0x1;
	p0 =	seq.s32 s7, s2  }
0x1e: {  	s7 =	smul.u32 @!p0 $0xF7A, s2;
	p2 =	seq.s32 @!p0 s5, $0x0  }
0x1f: {  	s9 =	smul.u32 $0xF7A, s1;
	s8 =	simm.s32 @!p0 $0x1BF5;
	p2 =	por !p2, p0  }
0x20: {  	[sflag:s8] =	ssyncset.s32 @!p0 $0xFFFFF086;
	s6 =	sadd.s32 @!p0 s3, s7;
	s7 =	simm.s32 @!p0 $0x108  }
0x21: {  	s3 =	sadd.s32 s3, s9;
	s6 =	sadd.s32 @!p0 $0x88, s6;
	s7 =	simm.s32 @p2 $0x1082  }
0x22: {  	[simem:s7], [sflag:s8] =	dma.local @!p0 [hbm:s6], $0xF7A  }
0x23: {  	s9 =	sor.u32 $0xD0000000, s2;
	s6 =	simm.s32 $0x108;
	_ =	swait.ge @!p0 [sflag:s8], $0x0  }
0x24: {  	s3 =	sadd.s32 $0x88, s3;
	s6 =	simm.s32 @!p1 $0x1082;
	[sflag:s4] =	ssyncset.s32 $0xFFFFF086  }
0x25: {  	[simem:s6], [sflag:s4] =	dma.local [hbm:s3], $0xF7A  }
0x26: {  	[smem:$0x3F92] =	sst s1;
	(tag) =	ssettag s2;
	_ =	strace s9  }
0x27: {  	s1 =	sld [smem:$0x3FA2]  }
0x28: {  	s2 =	sld [smem:$0x3FA3]  }
0x29: {  	s4 =	sld [smem:$0x3FA5]  }
0x2a: {  	p0 =	seq.s32 s5, $0x0;
	s5 =	sld [smem:$0x3FA6]  }
0x2b: {  	s6 =	sld [smem:$0x3FA7]  }
0x2c: {  	s7 =	sld [smem:$0x3FA8]  }
0x2d: {  	s3 =	simm.s32 $0x108;
	s8 =	sld [smem:$0x3FA9]  }
0x2e: {  	s3 =	simm.s32 @!p0 $0x1082;
	s9 =	sld [smem:$0x3FAA]  }
0x2f: {  	lr =	sadd.s32 s0, s3;
	s0 =	sld [smem:$0x3FA1]  }
0x30: {  	s3 =	sld [smem:$0x3FA4]  }
0x31: {  	[smem:$0x3FAD] =	sst s10  }
0x32: {  	s10 =	sld [smem:$0x3FAB];
	_ =	sdelay $0x3  }
0x33: {  	p0 =	seq.s32 s10, $0x1;
	s10 =	sld [smem:$0x3FAD];
	_ =	sdelay $0x3  }
0x34: {  	[smem:$0x3FAD] =	sst s10  }
0x35: {  	s10 =	sld [smem:$0x3FAC];
	_ =	sdelay $0x3  }
0x36: {  	p1 =	seq.s32 s10, $0x1;
	s10 =	sld [smem:$0x3FAD];
	_ =	sdelay $0x3  }
0x37: {  	[smem:$0x3FAD] =	sst s10  }
0x38: {  	s10 =	sld [smem:$0x3FAE]  }
0x39: {  	_ = 	snop;
	(pc) =	sbr.ind lr, $3  }
0x3a: {  	_ = 	snop  }
0x3b: {  	_ = 	snop  }
0x3c: {  	p2 =	seq.s32 s10, $0x1;
	s10 =	sld [smem:$0x3FAD]  }
0x3d: {  	_ =	shalt  }
0x3e: {  	_ =	shalt  }
0x3f: {  	_ =	shalt  }
0x40: {  	_ =	shalt  }
0x41: {  	_ =	shalt  }
0x42: {  	_ =	shalt  }
0x43: {  	_ =	shalt  }
0x44: {  	_ =	shalt  }
0x45: {  	_ =	shalt  }
0x46: {  	_ =	shalt  }
0x47: {  	_ =	shalt  }
0x48: {  	_ =	shalt  }
0x49: {  	_ =	shalt  }
0x4a: {  	_ =	shalt  }
0x4b: {  	_ =	shalt  }
0x4c: {  	_ =	shalt  }
0x4d: {  	_ =	shalt  }
0x4e: {  	_ =	shalt  }
0x4f: {  	_ =	shalt  }
0x50: {  	_ =	shalt  }
0x51: {  	_ =	shalt  }
0x52: {  	_ =	shalt  }
0x53: {  	_ =	shalt  }
0x54: {  	_ =	shalt  }
0x55: {  	_ =	shalt  }
0x56: {  	_ =	shalt  }
0x57: {  	_ =	shalt  }
0x58: {  	_ =	shalt  }
0x59: {  	_ =	shalt  }
0x5a: {  	_ =	shalt  }
0x5b: {  	_ =	shalt  }
0x5c: {  	_ =	shalt  }
0x5d: {  	_ =	shalt  }
0x5e: {  	_ =	shalt  }
0x5f: {  	_ =	shalt  }
0x60: {  	_ =	shalt  }
0x61: {  	_ =	shalt  }
0x62: {  	_ =	shalt  }
0x63: {  	_ =	shalt  }
0x64: {  	_ =	shalt  }
0x65: {  	_ =	shalt  }
0x66: {  	_ =	shalt  }
0x67: {  	_ =	shalt  }
0x68: {  	_ =	shalt  }
0x69: {  	_ =	shalt  }
0x6a: {  	_ =	shalt  }
0x6b: {  	_ =	shalt  }
0x6c: {  	_ =	shalt  }
0x6d: {  	_ =	shalt  }
0x6e: {  	_ =	shalt  }
0x6f: {  	_ =	shalt  }
0x70: {  	_ =	shalt  }
0x71: {  	_ =	shalt  }
0x72: {  	_ =	shalt  }
0x73: {  	_ =	shalt  }
0x74: {  	_ =	shalt  }
0x75: {  	_ =	shalt  }
0x76: {  	_ =	shalt  }
0x77: {  	_ =	shalt  }
0x78: {  	_ =	shalt  }
0x79: {  	_ =	shalt  }
0x7a: {  	_ =	shalt  }
0x7b: {  	_ =	shalt  }
0x7c: {  	_ =	shalt  }
0x7d: {  	_ =	shalt  }
0x7e: {  	_ =	shalt  }
0x7f: {  	_ =	shalt  }
0x80: {  	_ =	shalt  }
0x81: {  	_ =	shalt  }
0x82: {  	_ =	shalt  }
0x83: {  	_ =	shalt  }
0x84: {  	_ =	shalt  }
0x85: {  	_ =	shalt  }
0x86: {  	_ =	shalt  }
0x87: {  	_ =	shalt  }
.Lfunc_end0:
.L_simem_size_0:
called_computation.1_lowered:
.L_overlay_start_0:
0x88: {  	s2 =	sld [smem:$0x3FD9]  }
0x89: {  	s3 =	sld [smem:$0x3FFE];
	_ =	sdelay $0x1  }
0x8a: {  	s1 =	srdreg.scid  }
0x8b: {  	s0 =	sand.u32 $0x1, s1  }
0x8c: {  	s17 =	sshll.u32 s0, $0xA;
	s2 =	sadd.s32 s3, s2  }
0x8d: {  	s2 =	sadd.s32 s2, s17  }
0x8e: {  	[smem:$0x3FB9] =	sst s2  }
0x8f: {  	_ = 	snop  }
0x90: {  	s18 =	sld [smem:$0x3FC9];
	(tm) =	ssettm $0x1  }
0x91: {  	s19 =	sld [smem:$0x3FFB];
	_ =	sdelay $0x3  }
0x92: {  	_ =	strace s19  }
0x93: {  	s2 =	sld [smem:$0x3FFC];
	_ =	sdelay $0x3  }
0x94: {  	_ =	strace s2  }
0x95: {  	s2 =	sld [smem:$0x3FFD];
	_ =	sdelay $0x3  }
0x96: {  	_ =	strace s2  }
0x97: {  	_ =	strace $0x8FFFFFFF  }
0x98: {  	s20 =	sld [smem:$0x3FDB];
	_ =	sdelay $0x1  }
0x99: {  	s4 =	simm.s32 $_scs_section_size  }
0x9a: {  	s5 =	simm.s32 $_size__tile_overlayer_lowered;
	s6 =	simm.s32 $_tile_overlayer_lowered  }
0x9b: {  	s7 =	simm.s32 $0x1BFF;
	s21 =	sshll.u32 s6, $0x1;
	s4 =	sadd.s32 s4, s20  }
0x9c: {  	s22 =	simm.s32 $0x0;
	s5 =	sshll.u32 s5, $0x1;
	s6 =	sadd.s32 s21, s4  }
0x9d: {  	[timem:s22], [sflag:s7] =	dma.local [hbm:s6], s5  }
0x9e: {  	_ =	swait.ge [sflag:s7], s5  }
0x9f: {  	s5 =	ssub.s32 $0x0, s5;
	[sflag:s7] =	ssyncset.done $0x0  }
0xa0: {  	[sflag:s7] =	ssyncadd.s32 s5;
	_ =	sdelay $0x1  }
0xa1: {  	s23 =	simm.s32 $0x1B8B  }
0xa2: {  	_ =	swait.ge [sflag:s23], $0x1  }
0xa3: {  	[sflag:s23] =	ssyncset.done $0x0  }
0xa4: {  	[sflag:s23] =	ssyncadd.s32 $0xFFFFFFFF  }
0xa5: {  	s5 =	sld [smem:$0x0]  }
0xa6: {  	s6 =	sand.u32 $0xFFFFFFFE, s1  }
0xa7: {  	p0 =	sne.s32 s1, s6  }
0xa8: {  	s6 =	sshll.u32 @p0 s6, $0xE  }
0xa9: {  	s6 =	sadd.s32 @p0 $0x11B8D, s6;
	s7 =	sshll.u32 @p0 s5, $0x11  }
0xaa: {  	s6 =	sor.u32 @p0 s7, s6  }
0xab: {  	[sflag:s6] =	ssyncadd.remote.s32 @p0 $0x1;
	_ =	sdelay $0x1  }
0xac: {  	s6 =	simm.s32 @p0 $0x1B8D  }
0xad: {  	_ =	swait.eq @p0 [sflag:s6], $0x1  }
0xae: {  	[sflag:s6] =	ssyncadd.s32 @p0 $0xFFFFFFFF  }
0xaf: {  	s7 =	sshll.u32 @!p0 s1, $0xE  }
0xb0: {  	s7 =	sor.u32 @!p0 $0x4000, s7;
	s6 =	simm.s32 @!p0 $0x1B8D  }
0xb1: {  	s5 =	sshll.u32 @!p0 s5, $0x11;
	s7 =	sadd.s32 @!p0 $0x11B8D, s7;
	_ =	swait.eq @!p0 [sflag:s6], $0x1  }
0xb2: {  	s5 =	sor.u32 @!p0 s5, s7;
	[sflag:s6] =	ssyncadd.s32 @!p0 $0xFFFFFFFF  }
0xb3: {  	s25 =	simm.s32 $0x1B8E;
	s24 =	sld [smem:$0x3FFE];
	[sflag:s5] =	ssyncadd.remote.s32 @!p0 $0x1  }
0xb4: {  	s26 =	simm.s32 $execute0_lowered;
	[smem:$0x3FD2] =	sst s25  }
0xb5: {  	s6 =	sshll.u32 s26, $0x1;
	_ =	strace $0x80000049;
	[dreg:$0x1] =	wrdreg $0xFFFFFFFF  }
0xb6: {  	s28 =	simm.s32 $_size_execute0_lowered;
	s4 =	sadd.s32 s4, s6;
	[dreg:$0x0] =	wrdreg $0x0  }
0xb7: {  	s6 =	sshll.u32 s28, $0x1;
	[dreg:$0x2] =	wrdreg s4  }
0xb8: {  	[dreg:$0x3] =	wrdreg s6  }
0xb9: {  	[dreg:$0x4] =	wrdreg $0xC0  }
0xba: {  	_ =	task [dreg:s22], $0x5FFFF  }
0xbb: {  	[dreg:$0x1] =	wrdreg $0xFFFFFFFF  }
0xbc: {  	[dreg:$0x0] =	wrdreg $0x60  }
0xbd: {  	[dreg:$0x2] =	wrdreg s18  }
0xbe: {  	[dreg:$0x3] =	wrdreg s24  }
0xbf: {  	[dreg:$0x4] =	wrdreg $0xB7800  }
0xc0: {  	[dreg:$0x5] =	wrdreg $0xA  }
0xc1: {  	_ =	task.clear_ibuf [dreg:s22], $0x6FFFF;
	_ =	strace $0x90000049  }
0xc2: {  	s29 =	simm.s32 $0xA;
	_ =	strace $0x8000004B  }
0xc3: {  	_ =	swait.ge [sflag:s29], $0x1  }
0xc4: {  	[sflag:s29] =	ssyncadd.s32 $0xFFFFFFFF  }
0xc5: {  	_ =	strace $0x9000004B  }
0xc6: {  	_ =	sfence  }
0xc7: {  	s30 =	sld [smem:$0x0];
	_ =	sdelay $0x2  }
0xc8: {  	s31 =	sshll.u32 s1, $0xD;
	s1 =	sshrl.u32 s1, $0x2  }
0xc9: {  	s4 =	sand.u32 $0x4000, s31;
	s1 =	sadd.s32 s1, s30  }
0xca: {  	s0 =	sor.u32 s4, s0;
	s1 =	sshll.u32 s1, $0x11  }
0xcb: {  	s0 =	sor.u32 s1, s0  }
0xcc: {  	s0 =	sadd.s32 $0x8F2B, s0  }
0xcd: {  	[sflag:s0] =	ssyncadd.remote.s32 $0x1  }
0xce: {  	_ =	sfence.sel $0xFFFF  }
0xcf: {  	[dreg:$0x0] =	wrdreg $0xFFFFFFFF;
	(pc) =	sbr.abs _section_cstart, $3  }
0xd0: {  	[dreg:$0x1] =	wrdreg $0xFFFFFFFF  }
0xd1: {  	_ =	task.clear_ibuf [dreg:s22], $0x2FFFF;
	_ =	strace $0x9FFFFFFF  }
0xd2: {  	(tm) =	ssettm $0x7FFFFFFF  }
0xd3: {  	_ =	shalt  }
tec
execute0_lowered:
.L_overlay_start_1:
0x0: {  	(tag) =	ssettag $0x1  }
0x1: {  	s1 =	rddreg [dreg:$0x0]  }
0x2: {  	s6 =	rddreg [dreg:$0x1]  }
0x3: {  	s0 =	srdreg.scid;
	s3 =	rddreg [dreg:$0x2]  }
0x4: {  	s4 =	simm.s32 $0x0;
	s14 =	simm.s32 $0x50;
	s15 =	simm.s32 $0x6780  }
0x5: {  	s16 =	simm.s32 $0x8F80;
	s5 =	sand.u32 $0x1, s0;
	s0 =	stileid.u32  }
0x6: {  	s17 =	simm.s32 $0x3;
	s18 =	simm.s32 $0x2;
	s9 =	smul.u32 $0x2800, s0  }
0x7: {  	s19 =	simm.s32 $0x0;
	[smem:$0x7FF] =	sst s4;
	s10 =	smul.u32 $0x28000, s5  }
0x8: {  	s2 =	sshll.u32 s5, $0x4;
	s28 =	smul.u32 $0x50000, s0;
	s5 =	ssub.s32 $0x2, s5  }
0x9: {  	s31 =	sshll.u32 s0, $0x6;
	s7 =	sor.u32 s0, s2;
	s2 =	rddreg [dreg:$0x3]  }
0xa: {  	_ =	strace $0x8000004A;
	s29 =	sshrl.u32 s5, $0x1;
	s8 =	smul.u32 $0x4EC, s7  }
0xb: {  	s7 =	sshll.u32 s7, $0xB;
	s12 =	sadd.s32 s9, s6;
	s9 =	sadd.s32 s9, s10  }
0xc: {  	s30 =	ssub.s32 s5, s29;
	s11 =	sadd.s32 s7, s6;
	s9 =	sadd.s32 s9, s6  }
0xd: {  	s7 =	sshrl.u32 s28, $0x2;
	s5 =	sadd.s32 $0x13800, s12;
	s10 =	smax.u32 s30, $0x1  }
0xe: {  	s12 =	simm.s32 $0x5;
	s8 =	sadd.s32 s8, s6;
	s13 =	sadd.s32 s7, s3  }
0xf: {  	s6 =	sor.u32 $0x1C05, s31;
	s9 =	sadd.s32 $0x95600, s9;
	s7 =	sadd.s32 $0x8B800, s8  }
0x10: {  	s8 =	sadd.s32 $0x3800, s11;
	s11 =	sshrl.u32 s13, $0x3;
	s13 =	simm.s32 $0x2780  }
.LBB2_1:
0x11: {  	[spmem:s11], [sflag:s6] =	dma.local [hbm:s5], $0x2800  }
0x12: {  	_ =	swait.ge [sflag:s12], $0x2800  }
0x13: {  	[sflag:s12] =	ssyncset.done $0x0  }
0x14: {  	[sflag:s12] =	ssyncadd.s32 $0xFFFFD800  }
0x15: {  	[tilespmem:s4], [sflag:$0x5] =	stream.linear.gather [hbm4b:s7+s4], $0x2760, $0x38;
	[tilespmem:$0x1F780] =	vst v63  }
0x16: {  	_ =	swait.ge [sflag:s12], $0x2760  }
0x17: {  	[sflag:s12] =	ssyncset.done $0x0  }
0x18: {  	[sflag:s12] =	ssyncadd.s32 $0xFFFFD8A0  }
0x19: {  	[tilespmem:s13], [sflag:$0x5] =	stream.linear.gather [hbm4b:s8+s4], $0x3E80, $0x38;
	[tilespmem:$0x1F780] =	vst v63  }
0x1a: {  	_ =	swait.ge [sflag:s12], $0x3E80  }
0x1b: {  	[sflag:s12] =	ssyncset.done $0x0  }
0x1c: {  	[sflag:s12] =	ssyncadd.s32 $0xFFFFC180  }
0x1d: {  	s20 =	simm.s32 $0x1;
	[bflag:$0x0] =	sbarrier.arrive $0xFFFF  }
0x1e: {  	[tilespmem:s15], [sflag:$0x1] =	stream.indirect.gather [hbm4b:s1+s14], $0x80, s4, s14, $0xb8;
	[tilespmem:$0x1F780] =	vst v63  }
0x1f: {  	_ =	swait.ge [sflag:s20], $0x2800  }
0x20: {  	[sflag:s20] =	ssyncset.done $0x0  }
0x21: {  	[sflag:s20] =	ssyncadd.s32 $0xFFFFD800;
	s20 =	sand.u32 $0x1, s20  }
0x22: {  	[tilespmem:s16], [sflag:$0x2] =	stream.indirect.gather [hbm4b:s1+s14], $0x80, s14, s14, $0xb8;
	[tilespmem:$0x1F780] =	vst v63  }
0x23: {  	p1 =	seq.s32 s20, $0x0  }
0x24: {  	s20 =	simm.s32 @p1 $0x1  }
0x25: {  	[spmem:s3] =	stream.indirect.scatter.add.f32 [tilespmem:s15], [sflag:$0x3], $0x80, s13, s14, $0xb8;
	[tilespmem:$0x1F780] =	vst v63  }
0x26: {  	_ =	swait.ge @p1 [sflag:s20], $0x2800  }
0x27: {  	p0 =	por p1, p1;
	[sflag:s20] =	ssyncset.done @p1 $0x0  }
0x28: {  	[sflag:s20] =	ssyncadd.s32 @p0 $0xFFFFD800;
	s20 =	simm.s32 @p0 $0x4  }
0x29: {  	_ =	swait.ge @p0 [sflag:s20], $0x2800  }
0x2a: {  	s22 =	simm.s32 $0xA0;
	[sflag:s20] =	ssyncset.done @p0 $0x0  }
0x2b: {  	s21 =	simm.s32 @p0 $0x8F80;
	[sflag:s20] =	ssyncadd.s32 @p0 $0xFFFFD800;
	s20 =	simm.s32 @p0 $0x50  }
0x2c: {  	[tilespmem:s21], [sflag:$0x2] =	stream.indirect.gather @p0 [hbm4b:s1+s20], $0x80, s22, s20, $0xb8;
	[tilespmem:$0x1F780] =	vst v63  }
0x2d: {  	s23 =	simm.s32 $0x2800;
	s26 =	simm.s32 @!p0 $0x2;
	s21 =	simm.s32 @p0 $0x6780  }
0x2e: {  	[spmem:s3] =	stream.indirect.scatter.add.f32 @p0 [tilespmem:s21], [sflag:$0x3], $0x80, s23, s20, $0xb8;
	[tilespmem:$0x1F780] =	vst v63  }
0x2f: {  	_ =	swait.ge @!p0 [sflag:s26], $0x2800  }
0x30: {  	s31 =	simm.s32 $0x2;
	s24 =	simm.s32 $0x3;
	[sflag:s26] =	ssyncset.done @!p0 $0x0  }
0x31: {  	s25 =	simm.s32 @!p1 $0x8F80;
	s29 =	simm.s32 @!p0 $0x3;
	[sflag:s26] =	ssyncadd.s32 @!p0 $0xFFFFD800  }
0x32: {  	s28 =	simm.s32 @!p0 $0x6780;
	s21 =	sand.u32 $0x1, s31;
	_ =	swait.ge @!p0 [sflag:s29], $0x2800  }
0x33: {  	s20 =	simm.s32 $0xF0;
	p1 =	seq.s32 s21, $0x0;
	[sflag:s29] =	ssyncset.done @!p0 $0x0  }
0x34: {  	s21 =	simm.s32 $0x2880;
	s26 =	simm.s32 @!p0 $0x50;
	[sflag:s29] =	ssyncadd.s32 @!p0 $0xFFFFD800  }
.LBB2_2:
0x35: {  	[tilespmem:s28], [sflag:$0x1] =	stream.indirect.gather @!p0 [hbm4b:s1+s26], $0x80, s22, s26, $0xb8;
	[tilespmem:$0x1F780] =	vst v63  }
0x36: {  	s29 =	smov.u32 s24;
	s22 =	smov.u32 s20  }
0x37: {  	s24 =	sadd.s32 $0x1, s24;
	s28 =	simm.s32 @p1 $0x1;
	s30 =	simm.s32 @!p1 $0x8F80  }
0x38: {  	[spmem:s3] =	stream.indirect.scatter.add.f32 @!p0 [tilespmem:s25], [sflag:$0x4], $0x80, s23, s26, $0xb8;
	[tilespmem:$0x1F780] =	vst v63  }
0x39: {  	p2 =	sne.s32 s24, $0x7D;
	s25 =	smov.u32 s30;
	_ =	swait.ge @p1 [sflag:s28], $0x2800  }
0x3a: {  	s23 =	smov.u32 s21;
	p0 =	por p1, p1;
	[sflag:s28] =	ssyncset.done @p1 $0x0  }
0x3b: {  	s26 =	simm.s32 @p0 $0x4;
	[sflag:s28] =	ssyncadd.s32 @p0 $0xFFFFD800  }
0x3c: {  	_ =	swait.ge @p0 [sflag:s26], $0x2800  }
0x3d: {  	[sflag:s26] =	ssyncset.done @p0 $0x0  }
0x3e: {  	s28 =	simm.s32 @p0 $0x8F80;
	[sflag:s26] =	ssyncadd.s32 @p0 $0xFFFFD800;
	s26 =	simm.s32 @p0 $0x50  }
0x3f: {  	[tilespmem:s28], [sflag:$0x2] =	stream.indirect.gather @p0 [hbm4b:s1+s26], $0x80, s20, s26, $0xb8;
	[tilespmem:$0x1F780] =	vst v63  }
0x40: {  	s30 =	simm.s32 @!p0 $0x2;
	s28 =	simm.s32 @p0 $0x6780  }
0x41: {  	[spmem:s3] =	stream.indirect.scatter.add.f32 @p0 [tilespmem:s28], [sflag:$0x3], $0x80, s21, s26, $0xb8;
	[tilespmem:$0x1F780] =	vst v63  }
0x42: {  	_ =	swait.ge @!p0 [sflag:s30], $0x2800  }
.Ltmp0:
0x43: {  	[sflag:s30] =	ssyncset.done @!p0 $0x0;
	(pc) =	sbr.rel @p2 .LBB2_2-.Ltmp0, $4  }
0x44: {  	[sflag:s30] =	ssyncadd.s32 @!p0 $0xFFFFD800;
	s30 =	simm.s32 @!p0 $0x3  }
0x45: {  	s20 =	sadd.s32 $0x50, s20;
	s28 =	simm.s32 @!p0 $0x6780;
	_ =	swait.ge @!p0 [sflag:s30], $0x2800  }
0x46: {  	s29 =	sand.u32 $0x1, s29;
	s26 =	simm.s32 @!p0 $0x50;
	[sflag:s30] =	ssyncset.done @!p0 $0x0  }
0x47: {  	p1 =	seq.s32 s29, $0x0;
	s21 =	sadd.s32 $0x80, s21;
	[sflag:s30] =	ssyncadd.s32 @!p0 $0xFFFFD800  }
0x48: {  	[tilespmem:s28], [sflag:$0x1] =	stream.indirect.gather @!p0 [hbm4b:s1+s26], $0x80, s22, s26, $0xb8;
	[tilespmem:$0x1F780] =	vst v63  }
0x49: {  	s22 =	simm.s32 @p1 $0x1  }
0x4a: {  	[spmem:s3] =	stream.indirect.scatter.add.f32 @!p0 [tilespmem:s25], [sflag:$0x4], $0x80, s23, s26, $0xb8;
	[tilespmem:$0x1F780] =	vst v63  }
0x4b: {  	_ =	swait.ge @p1 [sflag:s22], $0x2800  }
0x4c: {  	p0 =	por p1, p1;
	[sflag:s22] =	ssyncset.done @p1 $0x0  }
0x4d: {  	[sflag:s22] =	ssyncadd.s32 @p0 $0xFFFFD800;
	s22 =	simm.s32 @p0 $0x4  }
0x4e: {  	_ =	swait.ge @p0 [sflag:s22], $0x2800  }
0x4f: {  	[sflag:s22] =	ssyncset.done @p0 $0x0  }
0x50: {  	s23 =	simm.s32 @p0 $0x8F80;
	[sflag:s22] =	ssyncadd.s32 @p0 $0xFFFFD800;
	s22 =	simm.s32 @p0 $0x50  }
0x51: {  	[tilespmem:s23], [sflag:$0x2] =	stream.indirect.gather @p0 [hbm4b:s1+s22], $0x80, s20, s22, $0xb8;
	[tilespmem:$0x1F780] =	vst v63  }
0x52: {  	s24 =	simm.s32 @!p0 $0x2;
	s23 =	simm.s32 @p0 $0x6780  }
0x53: {  	[spmem:s3] =	stream.indirect.scatter.add.f32 @p0 [tilespmem:s23], [sflag:$0x3], $0x80, s21, s22, $0xb8;
	[tilespmem:$0x1F780] =	vst v63  }
0x54: {  	_ =	swait.ge @!p0 [sflag:s24], $0x2800  }
0x55: {  	[sflag:s24] =	ssyncset.done @!p0 $0x0  }
0x56: {  	s22 =	simm.s32 @!p0 $0x3;
	[sflag:s24] =	ssyncadd.s32 @!p0 $0xFFFFD800  }
0x57: {  	_ =	swait.ge @!p0 [sflag:s22], $0x2800  }
0x58: {  	[sflag:s22] =	ssyncset.done @!p0 $0x0  }
0x59: {  	s23 =	simm.s32 @!p0 $0x6780;
	s24 =	simm.s32 @!p0 $0x50;
	[sflag:s22] =	ssyncadd.s32 @!p0 $0xFFFFD800  }
0x5a: {  	[tilespmem:s23], [sflag:$0x1] =	stream.indirect.gather @!p0 [hbm4b:s1+s24], $0x80, s20, s24, $0xb8;
	[tilespmem:$0x1F780] =	vst v63  }
0x5b: {  	s20 =	simm.s32 @!p1 $0x8F80  }
0x5c: {  	[spmem:s3] =	stream.indirect.scatter.add.f32 @!p0 [tilespmem:s20], [sflag:$0x4], $0x80, s21, s24, $0xb8;
	[tilespmem:$0x1F780] =	vst v63  }
0x5d: {  	_ =	swait.ge [sflag:s17], $0x2800  }
0x5e: {  	[sflag:s17] =	ssyncset.done $0x0  }
0x5f: {  	[sflag:s17] =	ssyncadd.s32 $0xFFFFD800  }
0x60: {  	_ =	swait.ge [sflag:s18], $0x2800  }
0x61: {  	s19 =	sadd.s32 $0x1, s19;
	[sflag:s18] =	ssyncset.done $0x0  }
0x62: {  	p0 =	sne.s32 s19, s10;
	[sflag:s18] =	ssyncadd.s32 $0xFFFFD800  }
.Ltmp1:
0x63: {  	[bflag:$0x0] =	sbarrier.arrive $0xFFFF;
	(pc) =	sbr.rel @p0 .LBB2_1-.Ltmp1, $4  }
0x64: {  	[hbm:s9], [sflag:s6] =	dma.local [spmem:s11], $0x2800  }
0x65: {  	_ =	swait.ge [sflag:s12], $0x2800  }
0x66: {  	[sflag:s12] =	ssyncset.done $0x0  }
0x67: {  	[sflag:s12] =	ssyncadd.s32 $0xFFFFD800  }
0x68: {  	_ =	sfence.sel $0x180000  }
0x69: {  	[bflag:$0x0] =	sbarrier.arrive $0xFFFF  }
0x6a: {  	p0 =	sne.s32 s0, $0x0;
	_ =	strace $0x9000004A  }
0x6b: {  	s0 =	sadd.s32 @!p0 $0x100000, s2;
	[bflag:$0x2] =	sbarrier.arrive $0xFFFF  }
0x6c: {  	[sflag:s0] =	ssyncadd.tile.s32 @!p0 $0x1;
	_ =	shalt  }
.Lfunc_end2:
_tile_overlayer_lowered:
.L_overlay_start_2:
0x6d: {  	(tag) =	ssettag $0x2  }
0x6e: {  	s0 =	rddreg [dreg:$0x0];
	s2 =	stileid.u32  }
0x6f: {  	s1 =	rddreg [dreg:$0x1];
	p0 =	sne.s32 s2, $0x0  }
0x70: {  	s3 =	rddreg [dreg:$0x2];
	[bflag:$0x3] =	sbarrier.arrive $0xFFFF;
	s2 =	simm.s32 @!p0 $0x1C05  }
0x71: {  	[timem:s3], [sflag:s2] =	dma.local @!p0 [hbm:s0], s1  }
0x72: {  	s0 =	simm.s32 @!p0 $0x5  }
0x73: {  	_ =	swait.ge @!p0 [sflag:s0], s1  }
0x74: {  	s1 =	ssub.s32 @!p0 $0x0, s1;
	[sflag:s0] =	ssyncset.done @!p0 $0x0  }
0x75: {  	[sflag:s0] =	ssyncadd.s32 @!p0 s1  }
0x76: {  	[bflag:$0x3] =	sbarrier.arrive $0xFFFF  }
0x77: {  	_ =	shalt  }

// kernel: kernel.15.cloned.1.call-start
scs
__scs_entry_jumppad:
0x0: {  	(pc) =	sbr.rel $0x88, $3  }
0x1: {  	(tag) =	ssettag $0x0;
	lr =	simm.s32 $0x1  }
0x2: {  	[smem:$0x3F92] =	sst lr;
	_ =	strace $0xD0000000  }
0x3: {  	_ = 	snop  }
0x4: {  	_ = 	snop  }
0x5: {  	_ = 	snop  }
0x6: {  	_ = 	snop  }
0x7: {  	_ = 	snop  }
__scs_overlays_trampoline_lowered:
0x8: {  	[smem:$0x3FA1] =	sst s0  }
0x9: {  	[smem:$0x3FA2] =	sst s1  }
0xa: {  	[smem:$0x3FA3] =	sst s2  }
0xb: {  	[smem:$0x3FA4] =	sst s3  }
0xc: {  	[smem:$0x3FA5] =	sst s4  }
0xd: {  	[smem:$0x3FA6] =	sst s5  }
0xe: {  	[smem:$0x3FA7] =	sst s6  }
0xf: {  	[smem:$0x3FA8] =	sst s7  }
0x10: {  	[smem:$0x3FA9] =	sst s8  }
0x11: {  	[smem:$0x3FAA] =	sst s9;
	s0 =	simm.s32 @!p0 $0x0  }
0x12: {  	s1 =	sld [smem:$0x3F90];
	s0 =	simm.s32 @p0 $0x1  }
0x13: {  	[smem:$0x3FAB] =	sst s0;
	s0 =	simm.s32 @!p1 $0x0  }
0x14: {  	s2 =	sld [smem:$0x3F8F];
	s0 =	simm.s32 @p1 $0x1  }
0x15: {  	[smem:$0x3FAC] =	sst s0;
	s0 =	simm.s32 @!p2 $0x0  }
0x16: {  	s3 =	sld [smem:$0x3FDB];
	s0 =	simm.s32 @p2 $0x1  }
0x17: {  	s4 =	simm.s32 $0x1BF5;
	[smem:$0x3FAE] =	sst s0  }
0x18: {  	s0 =	sld [smem:$0x3F91];
	_ =	swait.ge [sflag:s4], $0x0  }
0x19: {  	s7 =	sld [smem:$0x3F92]  }
0x1a: {  	s8 =	sadd.s32 $0xFFFFE003, lr  }
0x1b: {  	s9 =	sadd.s32 $0xFFFFFEF7, lr;
	s5 =	simm.s32 $0xFFFFFFFF;
	p2 =	slt.u32 s8, $0xFFFFF086  }
0x1c: {  	p1 =	slt.u32 s9, $0xF7A;
	s5 =	simm.s32 @!p2 $0x0  }
0x1d: {  	s5 =	simm.s32 @p1 $0x1;
	p0 =	seq.s32 s7, s2  }
0x1e: {  	s7 =	smul.u32 @!p0 $0xF7A, s2;
	p2 =	seq.s32 @!p0 s5, $0x0  }
0x1f: {  	s9 =	smul.u32 $0xF7A, s1;
	s8 =	simm.s32 @!p0 $0x1BF5;
	p2 =	por !p2, p0  }
0x20: {  	[sflag:s8] =	ssyncset.s32 @!p0 $0xFFFFF086;
	s6 =	sadd.s32 @!p0 s3, s7;
	s7 =	simm.s32 @!p0 $0x108  }
0x21: {  	s3 =	sadd.s32 s3, s9;
	s6 =	sadd.s32 @!p0 $0x88, s6;
	s7 =	simm.s32 @p2 $0x1082  }
0x22: {  	[simem:s7], [sflag:s8] =	dma.local @!p0 [hbm:s6], $0xF7A  }
0x23: {  	s9 =	sor.u32 $0xD0000000, s2;
	s6 =	simm.s32 $0x108;
	_ =	swait.ge @!p0 [sflag:s8], $0x0  }
0x24: {  	s3 =	sadd.s32 $0x88, s3;
	s6 =	simm.s32 @!p1 $0x1082;
	[sflag:s4] =	ssyncset.s32 $0xFFFFF086  }
0x25: {  	[simem:s6], [sflag:s4] =	dma.local [hbm:s3], $0xF7A  }
0x26: {  	[smem:$0x3F92] =	sst s1;
	(tag) =	ssettag s2;
	_ =	strace s9  }
0x27: {  	s1 =	sld [smem:$0x3FA2]  }
0x28: {  	s2 =	sld [smem:$0x3FA3]  }
0x29: {  	s4 =	sld [smem:$0x3FA5]  }
0x2a: {  	p0 =	seq.s32 s5, $0x0;
	s5 =	sld [smem:$0x3FA6]  }
0x2b: {  	s6 =	sld [smem:$0x3FA7]  }
0x2c: {  	s7 =	sld [smem:$0x3FA8]  }
0x2d: {  	s3 =	simm.s32 $0x108;
	s8 =	sld [smem:$0x3FA9]  }
0x2e: {  	s3 =	simm.s32 @!p0 $0x1082;
	s9 =	sld [smem:$0x3FAA]  }
0x2f: {  	lr =	sadd.s32 s0, s3;
	s0 =	sld [smem:$0x3FA1]  }
0x30: {  	s3 =	sld [smem:$0x3FA4]  }
0x31: {  	[smem:$0x3FAD] =	sst s10  }
0x32: {  	s10 =	sld [smem:$0x3FAB];
	_ =	sdelay $0x3  }
0x33: {  	p0 =	seq.s32 s10, $0x1;
	s10 =	sld [smem:$0x3FAD];
	_ =	sdelay $0x3  }
0x34: {  	[smem:$0x3FAD] =	sst s10  }
0x35: {  	s10 =	sld [smem:$0x3FAC];
	_ =	sdelay $0x3  }
0x36: {  	p1 =	seq.s32 s10, $0x1;
	s10 =	sld [smem:$0x3FAD];
	_ =	sdelay $0x3  }
0x37: {  	[smem:$0x3FAD] =	sst s10  }
0x38: {  	s10 =	sld [smem:$0x3FAE]  }
0x39: {  	_ = 	snop;
	(pc) =	sbr.ind lr, $3  }
0x3a: {  	_ = 	snop  }
0x3b: {  	_ = 	snop  }
0x3c: {  	p2 =	seq.s32 s10, $0x1;
	s10 =	sld [smem:$0x3FAD]  }
0x3d: {  	_ =	shalt  }
0x3e: {  	_ =	shalt  }
0x3f: {  	_ =	shalt  }
0x40: {  	_ =	shalt  }
0x41: {  	_ =	shalt  }
0x42: {  	_ =	shalt  }
0x43: {  	_ =	shalt  }
0x44: {  	_ =	shalt  }
0x45: {  	_ =	shalt  }
0x46: {  	_ =	shalt  }
0x47: {  	_ =	shalt  }
0x48: {  	_ =	shalt  }
0x49: {  	_ =	shalt  }
0x4a: {  	_ =	shalt  }
0x4b: {  	_ =	shalt  }
0x4c: {  	_ =	shalt  }
0x4d: {  	_ =	shalt  }
0x4e: {  	_ =	shalt  }
0x4f: {  	_ =	shalt  }
0x50: {  	_ =	shalt  }
0x51: {  	_ =	shalt  }
0x52: {  	_ =	shalt  }
0x53: {  	_ =	shalt  }
0x54: {  	_ =	shalt  }
0x55: {  	_ =	shalt  }
0x56: {  	_ =	shalt  }
0x57: {  	_ =	shalt  }
0x58: {  	_ =	shalt  }
0x59: {  	_ =	shalt  }
0x5a: {  	_ =	shalt  }
0x5b: {  	_ =	shalt  }
0x5c: {  	_ =	shalt  }
0x5d: {  	_ =	shalt  }
0x5e: {  	_ =	shalt  }
0x5f: {  	_ =	shalt  }
0x60: {  	_ =	shalt  }
0x61: {  	_ =	shalt  }
0x62: {  	_ =	shalt  }
0x63: {  	_ =	shalt  }
0x64: {  	_ =	shalt  }
0x65: {  	_ =	shalt  }
0x66: {  	_ =	shalt  }
0x67: {  	_ =	shalt  }
0x68: {  	_ =	shalt  }
0x69: {  	_ =	shalt  }
0x6a: {  	_ =	shalt  }
0x6b: {  	_ =	shalt  }
0x6c: {  	_ =	shalt  }
0x6d: {  	_ =	shalt  }
0x6e: {  	_ =	shalt  }
0x6f: {  	_ =	shalt  }
0x70: {  	_ =	shalt  }
0x71: {  	_ =	shalt  }
0x72: {  	_ =	shalt  }
0x73: {  	_ =	shalt  }
0x74: {  	_ =	shalt  }
0x75: {  	_ =	shalt  }
0x76: {  	_ =	shalt  }
0x77: {  	_ =	shalt  }
0x78: {  	_ =	shalt  }
0x79: {  	_ =	shalt  }
0x7a: {  	_ =	shalt  }
0x7b: {  	_ =	shalt  }
0x7c: {  	_ =	shalt  }
0x7d: {  	_ =	shalt  }
0x7e: {  	_ =	shalt  }
0x7f: {  	_ =	shalt  }
0x80: {  	_ =	shalt  }
0x81: {  	_ =	shalt  }
0x82: {  	_ =	shalt  }
0x83: {  	_ =	shalt  }
0x84: {  	_ =	shalt  }
0x85: {  	_ =	shalt  }
0x86: {  	_ =	shalt  }
0x87: {  	_ =	shalt  }
.Lfunc_end0:
.L_simem_size_0:
called_computation.2_lowered:
.L_overlay_start_0:
0x88: {  	s2 =	sld [smem:$0x3FD9]  }
0x89: {  	s3 =	sld [smem:$0x3FFE];
	_ =	sdelay $0x1  }
0x8a: {  	s1 =	srdreg.scid  }
0x8b: {  	s0 =	sand.u32 $0x1, s1  }
0x8c: {  	s17 =	sshll.u32 s0, $0xA;
	s2 =	sadd.s32 s3, s2  }
0x8d: {  	s2 =	sadd.s32 s2, s17  }
0x8e: {  	[smem:$0x3FB9] =	sst s2  }
0x8f: {  	_ = 	snop  }
0x90: {  	s2 =	sld [smem:$0x3FD0];
	(tm) =	ssettm $0x1  }
0x91: {  	s18 =	sld [smem:$0x3FFB];
	_ =	sdelay $0x3  }
0x92: {  	_ =	strace s18  }
0x93: {  	s3 =	sld [smem:$0x3FFC];
	_ =	sdelay $0x3  }
0x94: {  	_ =	strace s3  }
0x95: {  	s3 =	sld [smem:$0x3FFD];
	_ =	sdelay $0x3  }
0x96: {  	_ =	strace s3  }
0x97: {  	_ =	strace $0x8FFFFFFF  }
0x98: {  	s19 =	sld [smem:$0x3FDB];
	_ =	sdelay $0x1  }
0x99: {  	s4 =	simm.s32 $_scs_section_size  }
0x9a: {  	s5 =	simm.s32 $_size__tile_overlayer_lowered;
	s6 =	simm.s32 $_tile_overlayer_lowered  }
0x9b: {  	s22 =	simm.s32 $0x1BFF;
	s21 =	sshll.u32 s6, $0x1;
	s3 =	sadd.s32 s4, s19  }
0x9c: {  	s7 =	simm.s32 $0x0;
	s20 =	sshll.u32 s5, $0x1;
	s5 =	sadd.s32 s21, s3  }
0x9d: {  	[timem:s7], [sflag:s22] =	dma.local [hbm:s5], s20  }
0x9e: {  	_ =	swait.ge [sflag:s22], s20  }
0x9f: {  	s4 =	ssub.s32 $0x0, s20;
	[sflag:s22] =	ssyncset.done $0x0  }
0xa0: {  	[sflag:s22] =	ssyncadd.s32 s4;
	_ =	sdelay $0x1  }
0xa1: {  	s23 =	simm.s32 $0x1B8B  }
0xa2: {  	_ =	swait.ge [sflag:s23], $0x1  }
0xa3: {  	[sflag:s23] =	ssyncset.done $0x0  }
0xa4: {  	s25 =	simm.s32 $0x1B8E;
	s24 =	sld [smem:$0x3FFE];
	[sflag:s23] =	ssyncadd.s32 $0xFFFFFFFF  }
0xa5: {  	s26 =	simm.s32 $execute0_lowered;
	[smem:$0x3FD2] =	sst s25  }
0xa6: {  	s5 =	sshll.u32 s26, $0x1;
	_ =	strace $0x8000004C;
	[dreg:$0x1] =	wrdreg $0xFFFFFFFF  }
0xa7: {  	s28 =	simm.s32 $_size_execute0_lowered;
	s3 =	sadd.s32 s3, s5;
	[dreg:$0x0] =	wrdreg $0x0  }
0xa8: {  	s5 =	sshll.u32 s28, $0x1;
	[dreg:$0x2] =	wrdreg s3  }
0xa9: {  	[dreg:$0x3] =	wrdreg s5  }
0xaa: {  	[dreg:$0x4] =	wrdreg $0xC0  }
0xab: {  	_ =	task [dreg:s7], $0x5FFFF  }
0xac: {  	[dreg:$0x1] =	wrdreg $0xFFFFFFFF  }
0xad: {  	[dreg:$0x0] =	wrdreg $0x60  }
0xae: {  	[dreg:$0x2] =	wrdreg s2  }
0xaf: {  	[dreg:$0x3] =	wrdreg s24  }
0xb0: {  	[dreg:$0x4] =	wrdreg $0xB7800  }
0xb1: {  	[dreg:$0x5] =	wrdreg $0x9  }
0xb2: {  	_ =	task.clear_ibuf [dreg:s7], $0x6FFFF;
	_ =	strace $0x9000004C  }
0xb3: {  	s29 =	simm.s32 $0x9;
	_ =	strace $0x8000004E  }
0xb4: {  	_ =	swait.ge [sflag:s29], $0x1  }
0xb5: {  	[sflag:s29] =	ssyncadd.s32 $0xFFFFFFFF  }
0xb6: {  	_ =	strace $0x9000004E  }
0xb7: {  	_ =	sfence  }
0xb8: {  	s30 =	sld [smem:$0x0];
	_ =	sdelay $0x2  }
0xb9: {  	s31 =	sshll.u32 s1, $0xD;
	s1 =	sshrl.u32 s1, $0x2  }
0xba: {  	s3 =	sand.u32 $0x4000, s31;
	s1 =	sadd.s32 s1, s30  }
0xbb: {  	s0 =	sor.u32 s3, s0;
	s1 =	sshll.u32 s1, $0x11  }
0xbc: {  	s0 =	sor.u32 s1, s0  }
0xbd: {  	s0 =	sadd.s32 $0x8F2B, s0  }
0xbe: {  	[sflag:s0] =	ssyncadd.remote.s32 $0x1  }
0xbf: {  	_ =	sfence.sel $0xFFFF  }
0xc0: {  	[dreg:$0x0] =	wrdreg $0xFFFFFFFF;
	(pc) =	sbr.abs _section_cstart, $3  }
0xc1: {  	[dreg:$0x1] =	wrdreg $0xFFFFFFFF  }
0xc2: {  	_ =	task.clear_ibuf [dreg:s7], $0x2FFFF;
	_ =	strace $0x9FFFFFFF  }
0xc3: {  	(tm) =	ssettm $0x7FFFFFFF  }
tec
execute0_lowered:
.L_overlay_start_1:
0x0: {  	(tag) =	ssettag $0x1  }
0x1: {  	s1 =	rddreg [dreg:$0x0]  }
0x2: {  	s6 =	rddreg [dreg:$0x1]  }
0x3: {  	s0 =	srdreg.scid;
	s3 =	rddreg [dreg:$0x2]  }
0x4: {  	s4 =	simm.s32 $0x0;
	s14 =	simm.s32 $0x50;
	s15 =	simm.s32 $0x6780  }
0x5: {  	s16 =	simm.s32 $0x8F80;
	s5 =	sand.u32 $0x1, s0;
	s0 =	stileid.u32  }
0x6: {  	s17 =	simm.s32 $0x3;
	s18 =	simm.s32 $0x2;
	s9 =	smul.u32 $0x2800, s0  }
0x7: {  	s19 =	simm.s32 $0x0;
	[smem:$0x7FF] =	sst s4;
	s10 =	smul.u32 $0x28000, s5  }
0x8: {  	s2 =	sshll.u32 s5, $0x4;
	s28 =	smul.u32 $0x50000, s0;
	s5 =	ssub.s32 $0x2, s5  }
0x9: {  	s31 =	sshll.u32 s0, $0x6;
	s7 =	sor.u32 s0, s2;
	s2 =	rddreg [dreg:$0x3]  }
0xa: {  	_ =	strace $0x8000004D;
	s29 =	sshrl.u32 s5, $0x1;
	s8 =	smul.u32 $0x4EC, s7  }
0xb: {  	s7 =	sshll.u32 s7, $0xB;
	s12 =	sadd.s32 s9, s6;
	s9 =	sadd.s32 s9, s10  }
0xc: {  	s30 =	ssub.s32 s5, s29;
	s11 =	sadd.s32 s7, s6;
	s9 =	sadd.s32 s9, s6  }
0xd: {  	s7 =	sshrl.u32 s28, $0x2;
	s5 =	sadd.s32 $0x13800, s12;
	s10 =	smax.u32 s30, $0x1  }
0xe: {  	s12 =	simm.s32 $0x5;
	s8 =	sadd.s32 s8, s6;
	s13 =	sadd.s32 s7, s3  }
0xf: {  	s6 =	sor.u32 $0x1C05, s31;
	s9 =	sadd.s32 $0x95600, s9;
	s7 =	sadd.s32 $0x8B800, s8  }
0x10: {  	s8 =	sadd.s32 $0x3800, s11;
	s11 =	sshrl.u32 s13, $0x3;
	s13 =	simm.s32 $0x2780  }
.LBB2_1:
0x11: {  	[spmem:s11], [sflag:s6] =	dma.local [hbm:s5], $0x2800  }
0x12: {  	_ =	swait.ge [sflag:s12], $0x2800  }
0x13: {  	[sflag:s12] =	ssyncset.done $0x0  }
0x14: {  	[sflag:s12] =	ssyncadd.s32 $0xFFFFD800  }
0x15: {  	[tilespmem:s4], [sflag:$0x5] =	stream.linear.gather [hbm4b:s7+s4], $0x2760, $0x38;
	[tilespmem:$0x1F780] =	vst v63  }
0x16: {  	_ =	swait.ge [sflag:s12], $0x2760  }
0x17: {  	[sflag:s12] =	ssyncset.done $0x0  }
0x18: {  	[sflag:s12] =	ssyncadd.s32 $0xFFFFD8A0  }
0x19: {  	[tilespmem:s13], [sflag:$0x5] =	stream.linear.gather [hbm4b:s8+s4], $0x3E80, $0x38;
	[tilespmem:$0x1F780] =	vst v63  }
0x1a: {  	_ =	swait.ge [sflag:s12], $0x3E80  }
0x1b: {  	[sflag:s12] =	ssyncset.done $0x0  }
0x1c: {  	[sflag:s12] =	ssyncadd.s32 $0xFFFFC180  }
0x1d: {  	s20 =	simm.s32 $0x1;
	[bflag:$0x0] =	sbarrier.arrive $0xFFFF  }
0x1e: {  	[tilespmem:s15], [sflag:$0x1] =	stream.indirect.gather [hbm4b:s1+s14], $0x80, s4, s14, $0xb8;
	[tilespmem:$0x1F780] =	vst v63  }
0x1f: {  	_ =	swait.ge [sflag:s20], $0x2800  }
0x20: {  	[sflag:s20] =	ssyncset.done $0x0  }
0x21: {  	[sflag:s20] =	ssyncadd.s32 $0xFFFFD800;
	s20 =	sand.u32 $0x1, s20  }
0x22: {  	[tilespmem:s16], [sflag:$0x2] =	stream.indirect.gather [hbm4b:s1+s14], $0x80, s14, s14, $0xb8;
	[tilespmem:$0x1F780] =	vst v63  }
0x23: {  	p1 =	seq.s32 s20, $0x0  }
0x24: {  	s20 =	simm.s32 @p1 $0x1  }
0x25: {  	[spmem:s3] =	stream.indirect.scatter.add.f32 [tilespmem:s15], [sflag:$0x3], $0x80, s13, s14, $0xb8;
	[tilespmem:$0x1F780] =	vst v63  }
0x26: {  	_ =	swait.ge @p1 [sflag:s20], $0x2800  }
0x27: {  	p0 =	por p1, p1;
	[sflag:s20] =	ssyncset.done @p1 $0x0  }
0x28: {  	[sflag:s20] =	ssyncadd.s32 @p0 $0xFFFFD800;
	s20 =	simm.s32 @p0 $0x4  }
0x29: {  	_ =	swait.ge @p0 [sflag:s20], $0x2800  }
0x2a: {  	s22 =	simm.s32 $0xA0;
	[sflag:s20] =	ssyncset.done @p0 $0x0  }
0x2b: {  	s21 =	simm.s32 @p0 $0x8F80;
	[sflag:s20] =	ssyncadd.s32 @p0 $0xFFFFD800;
	s20 =	simm.s32 @p0 $0x50  }
0x2c: {  	[tilespmem:s21], [sflag:$0x2] =	stream.indirect.gather @p0 [hbm4b:s1+s20], $0x80, s22, s20, $0xb8;
	[tilespmem:$0x1F780] =	vst v63  }
0x2d: {  	s23 =	simm.s32 $0x2800;
	s26 =	simm.s32 @!p0 $0x2;
	s21 =	simm.s32 @p0 $0x6780  }
0x2e: {  	[spmem:s3] =	stream.indirect.scatter.add.f32 @p0 [tilespmem:s21], [sflag:$0x3], $0x80, s23, s20, $0xb8;
	[tilespmem:$0x1F780] =	vst v63  }
0x2f: {  	_ =	swait.ge @!p0 [sflag:s26], $0x2800  }
0x30: {  	s31 =	simm.s32 $0x2;
	s24 =	simm.s32 $0x3;
	[sflag:s26] =	ssyncset.done @!p0 $0x0  }
0x31: {  	s25 =	simm.s32 @!p1 $0x8F80;
	s29 =	simm.s32 @!p0 $0x3;
	[sflag:s26] =	ssyncadd.s32 @!p0 $0xFFFFD800  }
0x32: {  	s28 =	simm.s32 @!p0 $0x6780;
	s21 =	sand.u32 $0x1, s31;
	_ =	swait.ge @!p0 [sflag:s29], $0x2800  }
0x33: {  	s20 =	simm.s32 $0xF0;
	p1 =	seq.s32 s21, $0x0;
	[sflag:s29] =	ssyncset.done @!p0 $0x0  }
0x34: {  	s21 =	simm.s32 $0x2880;
	s26 =	simm.s32 @!p0 $0x50;
	[sflag:s29] =	ssyncadd.s32 @!p0 $0xFFFFD800  }
.LBB2_2:
0x35: {  	[tilespmem:s28], [sflag:$0x1] =	stream.indirect.gather @!p0 [hbm4b:s1+s26], $0x80, s22, s26, $0xb8;
	[tilespmem:$0x1F780] =	vst v63  }
0x36: {  	s29 =	smov.u32 s24;
	s22 =	smov.u32 s20  }
0x37: {  	s24 =	sadd.s32 $0x1, s24;
	s28 =	simm.s32 @p1 $0x1;
	s30 =	simm.s32 @!p1 $0x8F80  }
0x38: {  	[spmem:s3] =	stream.indirect.scatter.add.f32 @!p0 [tilespmem:s25], [sflag:$0x4], $0x80, s23, s26, $0xb8;
	[tilespmem:$0x1F780] =	vst v63  }
0x39: {  	p2 =	sne.s32 s24, $0x7D;
	s25 =	smov.u32 s30;
	_ =	swait.ge @p1 [sflag:s28], $0x2800  }
0x3a: {  	s23 =	smov.u32 s21;
	p0 =	por p1, p1;
	[sflag:s28] =	ssyncset.done @p1 $0x0  }
0x3b: {  	s26 =	simm.s32 @p0 $0x4;
	[sflag:s28] =	ssyncadd.s32 @p0 $0xFFFFD800  }
0x3c: {  	_ =	swait.ge @p0 [sflag:s26], $0x2800  }
0x3d: {  	[sflag:s26] =	ssyncset.done @p0 $0x0  }
0x3e: {  	s28 =	simm.s32 @p0 $0x8F80;
	[sflag:s26] =	ssyncadd.s32 @p0 $0xFFFFD800;
	s26 =	simm.s32 @p0 $0x50  }
0x3f: {  	[tilespmem:s28], [sflag:$0x2] =	stream.indirect.gather @p0 [hbm4b:s1+s26], $0x80, s20, s26, $0xb8;
	[tilespmem:$0x1F780] =	vst v63  }
0x40: {  	s30 =	simm.s32 @!p0 $0x2;
	s28 =	simm.s32 @p0 $0x6780  }
0x41: {  	[spmem:s3] =	stream.indirect.scatter.add.f32 @p0 [tilespmem:s28], [sflag:$0x3], $0x80, s21, s26, $0xb8;
	[tilespmem:$0x1F780] =	vst v63  }
0x42: {  	_ =	swait.ge @!p0 [sflag:s30], $0x2800  }
.Ltmp0:
0x43: {  	[sflag:s30] =	ssyncset.done @!p0 $0x0;
	(pc) =	sbr.rel @p2 .LBB2_2-.Ltmp0, $4  }
0x44: {  	[sflag:s30] =	ssyncadd.s32 @!p0 $0xFFFFD800;
	s30 =	simm.s32 @!p0 $0x3  }
0x45: {  	s20 =	sadd.s32 $0x50, s20;
	s28 =	simm.s32 @!p0 $0x6780;
	_ =	swait.ge @!p0 [sflag:s30], $0x2800  }
0x46: {  	s29 =	sand.u32 $0x1, s29;
	s26 =	simm.s32 @!p0 $0x50;
	[sflag:s30] =	ssyncset.done @!p0 $0x0  }
0x47: {  	p1 =	seq.s32 s29, $0x0;
	s21 =	sadd.s32 $0x80, s21;
	[sflag:s30] =	ssyncadd.s32 @!p0 $0xFFFFD800  }
0x48: {  	[tilespmem:s28], [sflag:$0x1] =	stream.indirect.gather @!p0 [hbm4b:s1+s26], $0x80, s22, s26, $0xb8;
	[tilespmem:$0x1F780] =	vst v63  }
0x49: {  	s22 =	simm.s32 @p1 $0x1  }
0x4a: {  	[spmem:s3] =	stream.indirect.scatter.add.f32 @!p0 [tilespmem:s25], [sflag:$0x4], $0x80, s23, s26, $0xb8;
	[tilespmem:$0x1F780] =	vst v63  }
0x4b: {  	_ =	swait.ge @p1 [sflag:s22], $0x2800  }
0x4c: {  	p0 =	por p1, p1;
	[sflag:s22] =	ssyncset.done @p1 $0x0  }
0x4d: {  	[sflag:s22] =	ssyncadd.s32 @p0 $0xFFFFD800;
	s22 =	simm.s32 @p0 $0x4  }
0x4e: {  	_ =	swait.ge @p0 [sflag:s22], $0x2800  }
0x4f: {  	[sflag:s22] =	ssyncset.done @p0 $0x0  }
0x50: {  	s23 =	simm.s32 @p0 $0x8F80;
	[sflag:s22] =	ssyncadd.s32 @p0 $0xFFFFD800;
	s22 =	simm.s32 @p0 $0x50  }
0x51: {  	[tilespmem:s23], [sflag:$0x2] =	stream.indirect.gather @p0 [hbm4b:s1+s22], $0x80, s20, s22, $0xb8;
	[tilespmem:$0x1F780] =	vst v63  }
0x52: {  	s24 =	simm.s32 @!p0 $0x2;
	s23 =	simm.s32 @p0 $0x6780  }
0x53: {  	[spmem:s3] =	stream.indirect.scatter.add.f32 @p0 [tilespmem:s23], [sflag:$0x3], $0x80, s21, s22, $0xb8;
	[tilespmem:$0x1F780] =	vst v63  }
0x54: {  	_ =	swait.ge @!p0 [sflag:s24], $0x2800  }
0x55: {  	[sflag:s24] =	ssyncset.done @!p0 $0x0  }
0x56: {  	s22 =	simm.s32 @!p0 $0x3;
	[sflag:s24] =	ssyncadd.s32 @!p0 $0xFFFFD800  }
0x57: {  	_ =	swait.ge @!p0 [sflag:s22], $0x2800  }
0x58: {  	[sflag:s22] =	ssyncset.done @!p0 $0x0  }
0x59: {  	s23 =	simm.s32 @!p0 $0x6780;
	s24 =	simm.s32 @!p0 $0x50;
	[sflag:s22] =	ssyncadd.s32 @!p0 $0xFFFFD800  }
0x5a: {  	[tilespmem:s23], [sflag:$0x1] =	stream.indirect.gather @!p0 [hbm4b:s1+s24], $0x80, s20, s24, $0xb8;
	[tilespmem:$0x1F780] =	vst v63  }
0x5b: {  	s20 =	simm.s32 @!p1 $0x8F80  }
0x5c: {  	[spmem:s3] =	stream.indirect.scatter.add.f32 @!p0 [tilespmem:s20], [sflag:$0x4], $0x80, s21, s24, $0xb8;
	[tilespmem:$0x1F780] =	vst v63  }
0x5d: {  	_ =	swait.ge [sflag:s17], $0x2800  }
0x5e: {  	[sflag:s17] =	ssyncset.done $0x0  }
0x5f: {  	[sflag:s17] =	ssyncadd.s32 $0xFFFFD800  }
0x60: {  	_ =	swait.ge [sflag:s18], $0x2800  }
0x61: {  	s19 =	sadd.s32 $0x1, s19;
	[sflag:s18] =	ssyncset.done $0x0  }
0x62: {  	p0 =	sne.s32 s19, s10;
	[sflag:s18] =	ssyncadd.s32 $0xFFFFD800  }
.Ltmp1:
0x63: {  	[bflag:$0x0] =	sbarrier.arrive $0xFFFF;
	(pc) =	sbr.rel @p0 .LBB2_1-.Ltmp1, $4  }
0x64: {  	[hbm:s9], [sflag:s6] =	dma.local [spmem:s11], $0x2800  }
0x65: {  	_ =	swait.ge [sflag:s12], $0x2800  }
0x66: {  	[sflag:s12] =	ssyncset.done $0x0  }
0x67: {  	[sflag:s12] =	ssyncadd.s32 $0xFFFFD800  }
0x68: {  	_ =	sfence.sel $0x180000  }
0x69: {  	[bflag:$0x0] =	sbarrier.arrive $0xFFFF  }
0x6a: {  	p0 =	sne.s32 s0, $0x0;
	_ =	strace $0x9000004D  }
0x6b: {  	s0 =	sadd.s32 @!p0 $0x100000, s2;
	[bflag:$0x2] =	sbarrier.arrive $0xFFFF  }
0x6c: {  	[sflag:s0] =	ssyncadd.tile.s32 @!p0 $0x1;
	_ =	shalt  }
.Lfunc_end2:
_tile_overlayer_lowered:
.L_overlay_start_2:
0x6d: {  	(tag) =	ssettag $0x2  }
0x6e: {  	s0 =	rddreg [dreg:$0x0];
	s2 =	stileid.u32  }
0x6f: {  	s1 =	rddreg [dreg:$0x1];
	p0 =	sne.s32 s2, $0x0  }
0x70: {  	s3 =	rddreg [dreg:$0x2];
	[bflag:$0x3] =	sbarrier.arrive $0xFFFF;
	s2 =	simm.s32 @!p0 $0x1C05  }
0x71: {  	[timem:s3], [sflag:s2] =	dma.local @!p0 [hbm:s0], s1  }
0x72: {  	s0 =	simm.s32 @!p0 $0x5  }
0x73: {  	_ =	swait.ge @!p0 [sflag:s0], s1  }
0x74: {  	s1 =	ssub.s32 @!p0 $0x0, s1;
	[sflag:s0] =	ssyncset.done @!p0 $0x0  }
0x75: {  	[sflag:s0] =	ssyncadd.s32 @!p0 s1  }
0x76: {  	[bflag:$0x3] =	sbarrier.arrive $0xFFFF  }
0x77: {  	_ =	shalt  }

// kernel: kernel.18.cloned.1.call-start
scs
__scs_entry_jumppad:
0x0: {  	(pc) =	sbr.rel $0x88, $3  }
0x1: {  	(tag) =	ssettag $0x0;
	lr =	simm.s32 $0x1  }
0x2: {  	[smem:$0x3F92] =	sst lr;
	_ =	strace $0xD0000000  }
0x3: {  	_ = 	snop  }
0x4: {  	_ = 	snop  }
0x5: {  	_ = 	snop  }
0x6: {  	_ = 	snop  }
0x7: {  	_ = 	snop  }
__scs_overlays_trampoline_lowered:
0x8: {  	[smem:$0x3FA1] =	sst s0  }
0x9: {  	[smem:$0x3FA2] =	sst s1  }
0xa: {  	[smem:$0x3FA3] =	sst s2  }
0xb: {  	[smem:$0x3FA4] =	sst s3  }
0xc: {  	[smem:$0x3FA5] =	sst s4  }
0xd: {  	[smem:$0x3FA6] =	sst s5  }
0xe: {  	[smem:$0x3FA7] =	sst s6  }
0xf: {  	[smem:$0x3FA8] =	sst s7  }
0x10: {  	[smem:$0x3FA9] =	sst s8  }
0x11: {  	[smem:$0x3FAA] =	sst s9;
	s0 =	simm.s32 @!p0 $0x0  }
0x12: {  	s1 =	sld [smem:$0x3F90];
	s0 =	simm.s32 @p0 $0x1  }
0x13: {  	[smem:$0x3FAB] =	sst s0;
	s0 =	simm.s32 @!p1 $0x0  }
0x14: {  	s2 =	sld [smem:$0x3F8F];
	s0 =	simm.s32 @p1 $0x1  }
0x15: {  	[smem:$0x3FAC] =	sst s0;
	s0 =	simm.s32 @!p2 $0x0  }
0x16: {  	s3 =	sld [smem:$0x3FDB];
	s0 =	simm.s32 @p2 $0x1  }
0x17: {  	s4 =	simm.s32 $0x1BF5;
	[smem:$0x3FAE] =	sst s0  }
0x18: {  	s0 =	sld [smem:$0x3F91];
	_ =	swait.ge [sflag:s4], $0x0  }
0x19: {  	s7 =	sld [smem:$0x3F92]  }
0x1a: {  	s8 =	sadd.s32 $0xFFFFE003, lr  }
0x1b: {  	s9 =	sadd.s32 $0xFFFFFEF7, lr;
	s5 =	simm.s32 $0xFFFFFFFF;
	p2 =	slt.u32 s8, $0xFFFFF086  }
0x1c: {  	p1 =	slt.u32 s9, $0xF7A;
	s5 =	simm.s32 @!p2 $0x0  }
0x1d: {  	s5 =	simm.s32 @p1 $0x1;
	p0 =	seq.s32 s7, s2  }
0x1e: {  	s7 =	smul.u32 @!p0 $0xF7A, s2;
	p2 =	seq.s32 @!p0 s5, $0x0  }
0x1f: {  	s9 =	smul.u32 $0xF7A, s1;
	s8 =	simm.s32 @!p0 $0x1BF5;
	p2 =	por !p2, p0  }
0x20: {  	[sflag:s8] =	ssyncset.s32 @!p0 $0xFFFFF086;
	s6 =	sadd.s32 @!p0 s3, s7;
	s7 =	simm.s32 @!p0 $0x108  }
0x21: {  	s3 =	sadd.s32 s3, s9;
	s6 =	sadd.s32 @!p0 $0x88, s6;
	s7 =	simm.s32 @p2 $0x1082  }
0x22: {  	[simem:s7], [sflag:s8] =	dma.local @!p0 [hbm:s6], $0xF7A  }
0x23: {  	s9 =	sor.u32 $0xD0000000, s2;
	s6 =	simm.s32 $0x108;
	_ =	swait.ge @!p0 [sflag:s8], $0x0  }
0x24: {  	s3 =	sadd.s32 $0x88, s3;
	s6 =	simm.s32 @!p1 $0x1082;
	[sflag:s4] =	ssyncset.s32 $0xFFFFF086  }
0x25: {  	[simem:s6], [sflag:s4] =	dma.local [hbm:s3], $0xF7A  }
0x26: {  	[smem:$0x3F92] =	sst s1;
	(tag) =	ssettag s2;
	_ =	strace s9  }
0x27: {  	s1 =	sld [smem:$0x3FA2]  }
0x28: {  	s2 =	sld [smem:$0x3FA3]  }
0x29: {  	s4 =	sld [smem:$0x3FA5]  }
0x2a: {  	p0 =	seq.s32 s5, $0x0;
	s5 =	sld [smem:$0x3FA6]  }
0x2b: {  	s6 =	sld [smem:$0x3FA7]  }
0x2c: {  	s7 =	sld [smem:$0x3FA8]  }
0x2d: {  	s3 =	simm.s32 $0x108;
	s8 =	sld [smem:$0x3FA9]  }
0x2e: {  	s3 =	simm.s32 @!p0 $0x1082;
	s9 =	sld [smem:$0x3FAA]  }
0x2f: {  	lr =	sadd.s32 s0, s3;
	s0 =	sld [smem:$0x3FA1]  }
0x30: {  	s3 =	sld [smem:$0x3FA4]  }
0x31: {  	[smem:$0x3FAD] =	sst s10  }
0x32: {  	s10 =	sld [smem:$0x3FAB];
	_ =	sdelay $0x3  }
0x33: {  	p0 =	seq.s32 s10, $0x1;
	s10 =	sld [smem:$0x3FAD];
	_ =	sdelay $0x3  }
0x34: {  	[smem:$0x3FAD] =	sst s10  }
0x35: {  	s10 =	sld [smem:$0x3FAC];
	_ =	sdelay $0x3  }
0x36: {  	p1 =	seq.s32 s10, $0x1;
	s10 =	sld [smem:$0x3FAD];
	_ =	sdelay $0x3  }
0x37: {  	[smem:$0x3FAD] =	sst s10  }
0x38: {  	s10 =	sld [smem:$0x3FAE]  }
0x39: {  	_ = 	snop;
	(pc) =	sbr.ind lr, $3  }
0x3a: {  	_ = 	snop  }
0x3b: {  	_ = 	snop  }
0x3c: {  	p2 =	seq.s32 s10, $0x1;
	s10 =	sld [smem:$0x3FAD]  }
0x3d: {  	_ =	shalt  }
0x3e: {  	_ =	shalt  }
0x3f: {  	_ =	shalt  }
0x40: {  	_ =	shalt  }
0x41: {  	_ =	shalt  }
0x42: {  	_ =	shalt  }
0x43: {  	_ =	shalt  }
0x44: {  	_ =	shalt  }
0x45: {  	_ =	shalt  }
0x46: {  	_ =	shalt  }
0x47: {  	_ =	shalt  }
0x48: {  	_ =	shalt  }
0x49: {  	_ =	shalt  }
0x4a: {  	_ =	shalt  }
0x4b: {  	_ =	shalt  }
0x4c: {  	_ =	shalt  }
0x4d: {  	_ =	shalt  }
0x4e: {  	_ =	shalt  }
0x4f: {  	_ =	shalt  }
0x50: {  	_ =	shalt  }
0x51: {  	_ =	shalt  }
0x52: {  	_ =	shalt  }
0x53: {  	_ =	shalt  }
0x54: {  	_ =	shalt  }
0x55: {  	_ =	shalt  }
0x56: {  	_ =	shalt  }
0x57: {  	_ =	shalt  }
0x58: {  	_ =	shalt  }
0x59: {  	_ =	shalt  }
0x5a: {  	_ =	shalt  }
0x5b: {  	_ =	shalt  }
0x5c: {  	_ =	shalt  }
0x5d: {  	_ =	shalt  }
0x5e: {  	_ =	shalt  }
0x5f: {  	_ =	shalt  }
0x60: {  	_ =	shalt  }
0x61: {  	_ =	shalt  }
0x62: {  	_ =	shalt  }
0x63: {  	_ =	shalt  }
0x64: {  	_ =	shalt  }
0x65: {  	_ =	shalt  }
0x66: {  	_ =	shalt  }
0x67: {  	_ =	shalt  }
0x68: {  	_ =	shalt  }
0x69: {  	_ =	shalt  }
0x6a: {  	_ =	shalt  }
0x6b: {  	_ =	shalt  }
0x6c: {  	_ =	shalt  }
0x6d: {  	_ =	shalt  }
0x6e: {  	_ =	shalt  }
0x6f: {  	_ =	shalt  }
0x70: {  	_ =	shalt  }
0x71: {  	_ =	shalt  }
0x72: {  	_ =	shalt  }
0x73: {  	_ =	shalt  }
0x74: {  	_ =	shalt  }
0x75: {  	_ =	shalt  }
0x76: {  	_ =	shalt  }
0x77: {  	_ =	shalt  }
0x78: {  	_ =	shalt  }
0x79: {  	_ =	shalt  }
0x7a: {  	_ =	shalt  }
0x7b: {  	_ =	shalt  }
0x7c: {  	_ =	shalt  }
0x7d: {  	_ =	shalt  }
0x7e: {  	_ =	shalt  }
0x7f: {  	_ =	shalt  }
0x80: {  	_ =	shalt  }
0x81: {  	_ =	shalt  }
0x82: {  	_ =	shalt  }
0x83: {  	_ =	shalt  }
0x84: {  	_ =	shalt  }
0x85: {  	_ =	shalt  }
0x86: {  	_ =	shalt  }
0x87: {  	_ =	shalt  }
.Lfunc_end0:
.L_simem_size_0:
called_computation.3_lowered:
.L_overlay_start_0:
0x88: {  	s2 =	sld [smem:$0x3FD9]  }
0x89: {  	s3 =	sld [smem:$0x3FFE];
	_ =	sdelay $0x1  }
0x8a: {  	s1 =	srdreg.scid  }
0x8b: {  	s0 =	sand.u32 $0x1, s1  }
0x8c: {  	s17 =	sshll.u32 s0, $0xA;
	s2 =	sadd.s32 s3, s2  }
0x8d: {  	s2 =	sadd.s32 s2, s17  }
0x8e: {  	[smem:$0x3FB9] =	sst s2  }
0x8f: {  	_ = 	snop  }
0x90: {  	s2 =	sld [smem:$0x3FD0];
	(tm) =	ssettm $0x1  }
0x91: {  	s18 =	sld [smem:$0x3FFB];
	_ =	sdelay $0x3  }
0x92: {  	_ =	strace s18  }
0x93: {  	s3 =	sld [smem:$0x3FFC];
	_ =	sdelay $0x3  }
0x94: {  	_ =	strace s3  }
0x95: {  	s3 =	sld [smem:$0x3FFD];
	_ =	sdelay $0x3  }
0x96: {  	_ =	strace s3  }
0x97: {  	_ =	strace $0x8FFFFFFF  }
0x98: {  	s19 =	sld [smem:$0x3FDB];
	_ =	sdelay $0x1  }
0x99: {  	s4 =	simm.s32 $_scs_section_size  }
0x9a: {  	s5 =	simm.s32 $_size__tile_overlayer_lowered;
	s6 =	simm.s32 $_tile_overlayer_lowered  }
0x9b: {  	s22 =	simm.s32 $0x1BFF;
	s21 =	sshll.u32 s6, $0x1;
	s3 =	sadd.s32 s4, s19  }
0x9c: {  	s7 =	simm.s32 $0x0;
	s20 =	sshll.u32 s5, $0x1;
	s5 =	sadd.s32 s21, s3  }
0x9d: {  	[timem:s7], [sflag:s22] =	dma.local [hbm:s5], s20  }
0x9e: {  	_ =	swait.ge [sflag:s22], s20  }
0x9f: {  	s4 =	ssub.s32 $0x0, s20;
	[sflag:s22] =	ssyncset.done $0x0  }
0xa0: {  	[sflag:s22] =	ssyncadd.s32 s4;
	_ =	sdelay $0x1  }
0xa1: {  	s23 =	simm.s32 $0x1B8B  }
0xa2: {  	_ =	swait.ge [sflag:s23], $0x1  }
0xa3: {  	[sflag:s23] =	ssyncset.done $0x0  }
0xa4: {  	s25 =	simm.s32 $0x1B8E;
	s24 =	sld [smem:$0x3FFE];
	[sflag:s23] =	ssyncadd.s32 $0xFFFFFFFF  }
0xa5: {  	s26 =	simm.s32 $execute0_lowered;
	[smem:$0x3FD2] =	sst s25  }
0xa6: {  	s5 =	sshll.u32 s26, $0x1;
	_ =	strace $0x8000004F;
	[dreg:$0x1] =	wrdreg $0xFFFFFFFF  }
0xa7: {  	s28 =	simm.s32 $_size_execute0_lowered;
	s3 =	sadd.s32 s3, s5;
	[dreg:$0x0] =	wrdreg $0x0  }
0xa8: {  	s5 =	sshll.u32 s28, $0x1;
	[dreg:$0x2] =	wrdreg s3  }
0xa9: {  	[dreg:$0x3] =	wrdreg s5  }
0xaa: {  	[dreg:$0x4] =	wrdreg $0xC0  }
0xab: {  	_ =	task [dreg:s7], $0x5FFFF  }
0xac: {  	[dreg:$0x1] =	wrdreg $0xFFFFFFFF  }
0xad: {  	[dreg:$0x0] =	wrdreg $0x60  }
0xae: {  	[dreg:$0x2] =	wrdreg s2  }
0xaf: {  	[dreg:$0x3] =	wrdreg s24  }
0xb0: {  	[dreg:$0x4] =	wrdreg $0xB7800  }
0xb1: {  	[dreg:$0x5] =	wrdreg $0x9  }
0xb2: {  	_ =	task.clear_ibuf [dreg:s7], $0x6FFFF;
	_ =	strace $0x9000004F  }
0xb3: {  	s29 =	simm.s32 $0x9;
	_ =	strace $0x80000051  }
0xb4: {  	_ =	swait.ge [sflag:s29], $0x1  }
0xb5: {  	[sflag:s29] =	ssyncadd.s32 $0xFFFFFFFF  }
0xb6: {  	_ =	strace $0x90000051  }
0xb7: {  	_ =	sfence  }
0xb8: {  	s30 =	sld [smem:$0x0];
	_ =	sdelay $0x2  }
0xb9: {  	s31 =	sshll.u32 s1, $0xD;
	s1 =	sshrl.u32 s1, $0x2  }
0xba: {  	s3 =	sand.u32 $0x4000, s31;
	s1 =	sadd.s32 s1, s30  }
0xbb: {  	s0 =	sor.u32 s3, s0;
	s1 =	sshll.u32 s1, $0x11  }
0xbc: {  	s0 =	sor.u32 s1, s0  }
0xbd: {  	s0 =	sadd.s32 $0x8F2B, s0  }
0xbe: {  	[sflag:s0] =	ssyncadd.remote.s32 $0x1  }
0xbf: {  	_ =	sfence.sel $0xFFFF  }
0xc0: {  	[dreg:$0x0] =	wrdreg $0xFFFFFFFF;
	(pc) =	sbr.abs _section_cstart, $3  }
0xc1: {  	[dreg:$0x1] =	wrdreg $0xFFFFFFFF  }
0xc2: {  	_ =	task.clear_ibuf [dreg:s7], $0x2FFFF;
	_ =	strace $0x9FFFFFFF  }
0xc3: {  	(tm) =	ssettm $0x7FFFFFFF  }
tec
execute0_lowered:
.L_overlay_start_1:
0x0: {  	(tag) =	ssettag $0x1  }
0x1: {  	s1 =	rddreg [dreg:$0x0]  }
0x2: {  	s6 =	rddreg [dreg:$0x1]  }
0x3: {  	s0 =	srdreg.scid;
	s3 =	rddreg [dreg:$0x2]  }
0x4: {  	s4 =	simm.s32 $0x0;
	s14 =	simm.s32 $0x50;
	s15 =	simm.s32 $0x6780  }
0x5: {  	s16 =	simm.s32 $0x8F80;
	s5 =	sand.u32 $0x1, s0;
	s0 =	stileid.u32  }
0x6: {  	s17 =	simm.s32 $0x3;
	s18 =	simm.s32 $0x2;
	s9 =	smul.u32 $0x2800, s0  }
0x7: {  	s19 =	simm.s32 $0x0;
	[smem:$0x7FF] =	sst s4;
	s10 =	smul.u32 $0x28000, s5  }
0x8: {  	s2 =	sshll.u32 s5, $0x4;
	s28 =	smul.u32 $0x50000, s0;
	s5 =	ssub.s32 $0x2, s5  }
0x9: {  	s31 =	sshll.u32 s0, $0x6;
	s7 =	sor.u32 s0, s2;
	s2 =	rddreg [dreg:$0x3]  }
0xa: {  	_ =	strace $0x80000050;
	s29 =	sshrl.u32 s5, $0x1;
	s8 =	smul.u32 $0x4EC, s7  }
0xb: {  	s7 =	sshll.u32 s7, $0xB;
	s12 =	sadd.s32 s9, s6;
	s9 =	sadd.s32 s9, s10  }
0xc: {  	s30 =	ssub.s32 s5, s29;
	s11 =	sadd.s32 s7, s6;
	s9 =	sadd.s32 s9, s6  }
0xd: {  	s7 =	sshrl.u32 s28, $0x2;
	s5 =	sadd.s32 $0x13800, s12;
	s10 =	smax.u32 s30, $0x1  }
0xe: {  	s12 =	simm.s32 $0x5;
	s8 =	sadd.s32 s8, s6;
	s13 =	sadd.s32 s7, s3  }
0xf: {  	s6 =	sor.u32 $0x1C05, s31;
	s9 =	sadd.s32 $0x95600, s9;
	s7 =	sadd.s32 $0x8B800, s8  }
0x10: {  	s8 =	sadd.s32 $0x3800, s11;
	s11 =	sshrl.u32 s13, $0x3;
	s13 =	simm.s32 $0x2780  }
.LBB2_1:
0x11: {  	[spmem:s11], [sflag:s6] =	dma.local [hbm:s5], $0x2800  }
0x12: {  	_ =	swait.ge [sflag:s12], $0x2800  }
0x13: {  	[sflag:s12] =	ssyncset.done $0x0  }
0x14: {  	[sflag:s12] =	ssyncadd.s32 $0xFFFFD800  }
0x15: {  	[tilespmem:s4], [sflag:$0x5] =	stream.linear.gather [hbm4b:s7+s4], $0x2760, $0x38;
	[tilespmem:$0x1F780] =	vst v63  }
0x16: {  	_ =	swait.ge [sflag:s12], $0x2760  }
0x17: {  	[sflag:s12] =	ssyncset.done $0x0  }
0x18: {  	[sflag:s12] =	ssyncadd.s32 $0xFFFFD8A0  }
0x19: {  	[tilespmem:s13], [sflag:$0x5] =	stream.linear.gather [hbm4b:s8+s4], $0x3E80, $0x38;
	[tilespmem:$0x1F780] =	vst v63  }
0x1a: {  	_ =	swait.ge [sflag:s12], $0x3E80  }
0x1b: {  	[sflag:s12] =	ssyncset.done $0x0  }
0x1c: {  	[sflag:s12] =	ssyncadd.s32 $0xFFFFC180  }
0x1d: {  	s20 =	simm.s32 $0x1;
	[bflag:$0x0] =	sbarrier.arrive $0xFFFF  }
0x1e: {  	[tilespmem:s15], [sflag:$0x1] =	stream.indirect.gather [hbm4b:s1+s14], $0x80, s4, s14, $0xb8;
	[tilespmem:$0x1F780] =	vst v63  }
0x1f: {  	_ =	swait.ge [sflag:s20], $0x2800  }
0x20: {  	[sflag:s20] =	ssyncset.done $0x0  }
0x21: {  	[sflag:s20] =	ssyncadd.s32 $0xFFFFD800;
	s20 =	sand.u32 $0x1, s20  }
0x22: {  	[tilespmem:s16], [sflag:$0x2] =	stream.indirect.gather [hbm4b:s1+s14], $0x80, s14, s14, $0xb8;
	[tilespmem:$0x1F780] =	vst v63  }
0x23: {  	p1 =	seq.s32 s20, $0x0  }
0x24: {  	s20 =	simm.s32 @p1 $0x1  }
0x25: {  	[spmem:s3] =	stream.indirect.scatter.add.f32 [tilespmem:s15], [sflag:$0x3], $0x80, s13, s14, $0xb8;
	[tilespmem:$0x1F780] =	vst v63  }
0x26: {  	_ =	swait.ge @p1 [sflag:s20], $0x2800  }
0x27: {  	p0 =	por p1, p1;
	[sflag:s20] =	ssyncset.done @p1 $0x0  }
0x28: {  	[sflag:s20] =	ssyncadd.s32 @p0 $0xFFFFD800;
	s20 =	simm.s32 @p0 $0x4  }
0x29: {  	_ =	swait.ge @p0 [sflag:s20], $0x2800  }
0x2a: {  	s22 =	simm.s32 $0xA0;
	[sflag:s20] =	ssyncset.done @p0 $0x0  }
0x2b: {  	s21 =	simm.s32 @p0 $0x8F80;
	[sflag:s20] =	ssyncadd.s32 @p0 $0xFFFFD800;
	s20 =	simm.s32 @p0 $0x50  }
0x2c: {  	[tilespmem:s21], [sflag:$0x2] =	stream.indirect.gather @p0 [hbm4b:s1+s20], $0x80, s22, s20, $0xb8;
	[tilespmem:$0x1F780] =	vst v63  }
0x2d: {  	s23 =	simm.s32 $0x2800;
	s26 =	simm.s32 @!p0 $0x2;
	s21 =	simm.s32 @p0 $0x6780  }
0x2e: {  	[spmem:s3] =	stream.indirect.scatter.add.f32 @p0 [tilespmem:s21], [sflag:$0x3], $0x80, s23, s20, $0xb8;
	[tilespmem:$0x1F780] =	vst v63  }
0x2f: {  	_ =	swait.ge @!p0 [sflag:s26], $0x2800  }
0x30: {  	s31 =	simm.s32 $0x2;
	s24 =	simm.s32 $0x3;
	[sflag:s26] =	ssyncset.done @!p0 $0x0  }
0x31: {  	s25 =	simm.s32 @!p1 $0x8F80;
	s29 =	simm.s32 @!p0 $0x3;
	[sflag:s26] =	ssyncadd.s32 @!p0 $0xFFFFD800  }
0x32: {  	s28 =	simm.s32 @!p0 $0x6780;
	s21 =	sand.u32 $0x1, s31;
	_ =	swait.ge @!p0 [sflag:s29], $0x2800  }
0x33: {  	s20 =	simm.s32 $0xF0;
	p1 =	seq.s32 s21, $0x0;
	[sflag:s29] =	ssyncset.done @!p0 $0x0  }
0x34: {  	s21 =	simm.s32 $0x2880;
	s26 =	simm.s32 @!p0 $0x50;
	[sflag:s29] =	ssyncadd.s32 @!p0 $0xFFFFD800  }
.LBB2_2:
0x35: {  	[tilespmem:s28], [sflag:$0x1] =	stream.indirect.gather @!p0 [hbm4b:s1+s26], $0x80, s22, s26, $0xb8;
	[tilespmem:$0x1F780] =	vst v63  }
0x36: {  	s29 =	smov.u32 s24;
	s22 =	smov.u32 s20  }
0x37: {  	s24 =	sadd.s32 $0x1, s24;
	s28 =	simm.s32 @p1 $0x1;
	s30 =	simm.s32 @!p1 $0x8F80  }
0x38: {  	[spmem:s3] =	stream.indirect.scatter.add.f32 @!p0 [tilespmem:s25], [sflag:$0x4], $0x80, s23, s26, $0xb8;
	[tilespmem:$0x1F780] =	vst v63  }
0x39: {  	p2 =	sne.s32 s24, $0x7D;
	s25 =	smov.u32 s30;
	_ =	swait.ge @p1 [sflag:s28], $0x2800  }
0x3a: {  	s23 =	smov.u32 s21;
	p0 =	por p1, p1;
	[sflag:s28] =	ssyncset.done @p1 $0x0  }
0x3b: {  	s26 =	simm.s32 @p0 $0x4;
	[sflag:s28] =	ssyncadd.s32 @p0 $0xFFFFD800  }
0x3c: {  	_ =	swait.ge @p0 [sflag:s26], $0x2800  }
0x3d: {  	[sflag:s26] =	ssyncset.done @p0 $0x0  }
0x3e: {  	s28 =	simm.s32 @p0 $0x8F80;
	[sflag:s26] =	ssyncadd.s32 @p0 $0xFFFFD800;
	s26 =	simm.s32 @p0 $0x50  }
0x3f: {  	[tilespmem:s28], [sflag:$0x2] =	stream.indirect.gather @p0 [hbm4b:s1+s26], $0x80, s20, s26, $0xb8;
	[tilespmem:$0x1F780] =	vst v63  }
0x40: {  	s30 =	simm.s32 @!p0 $0x2;
	s28 =	simm.s32 @p0 $0x6780  }
0x41: {  	[spmem:s3] =	stream.indirect.scatter.add.f32 @p0 [tilespmem:s28], [sflag:$0x3], $0x80, s21, s26, $0xb8;
	[tilespmem:$0x1F780] =	vst v63  }
0x42: {  	_ =	swait.ge @!p0 [sflag:s30], $0x2800  }
.Ltmp0:
0x43: {  	[sflag:s30] =	ssyncset.done @!p0 $0x0;
	(pc) =	sbr.rel @p2 .LBB2_2-.Ltmp0, $4  }
0x44: {  	[sflag:s30] =	ssyncadd.s32 @!p0 $0xFFFFD800;
	s30 =	simm.s32 @!p0 $0x3  }
0x45: {  	s20 =	sadd.s32 $0x50, s20;
	s28 =	simm.s32 @!p0 $0x6780;
	_ =	swait.ge @!p0 [sflag:s30], $0x2800  }
0x46: {  	s29 =	sand.u32 $0x1, s29;
	s26 =	simm.s32 @!p0 $0x50;
	[sflag:s30] =	ssyncset.done @!p0 $0x0  }
0x47: {  	p1 =	seq.s32 s29, $0x0;
	s21 =	sadd.s32 $0x80, s21;
	[sflag:s30] =	ssyncadd.s32 @!p0 $0xFFFFD800  }
0x48: {  	[tilespmem:s28], [sflag:$0x1] =	stream.indirect.gather @!p0 [hbm4b:s1+s26], $0x80, s22, s26, $0xb8;
	[tilespmem:$0x1F780] =	vst v63  }
0x49: {  	s22 =	simm.s32 @p1 $0x1  }
0x4a: {  	[spmem:s3] =	stream.indirect.scatter.add.f32 @!p0 [tilespmem:s25], [sflag:$0x4], $0x80, s23, s26, $0xb8;
	[tilespmem:$0x1F780] =	vst v63  }
0x4b: {  	_ =	swait.ge @p1 [sflag:s22], $0x2800  }
0x4c: {  	p0 =	por p1, p1;
	[sflag:s22] =	ssyncset.done @p1 $0x0  }
0x4d: {  	[sflag:s22] =	ssyncadd.s32 @p0 $0xFFFFD800;
	s22 =	simm.s32 @p0 $0x4  }
0x4e: {  	_ =	swait.ge @p0 [sflag:s22], $0x2800  }
0x4f: {  	[sflag:s22] =	ssyncset.done @p0 $0x0  }
0x50: {  	s23 =	simm.s32 @p0 $0x8F80;
	[sflag:s22] =	ssyncadd.s32 @p0 $0xFFFFD800;
	s22 =	simm.s32 @p0 $0x50  }
0x51: {  	[tilespmem:s23], [sflag:$0x2] =	stream.indirect.gather @p0 [hbm4b:s1+s22], $0x80, s20, s22, $0xb8;
	[tilespmem:$0x1F780] =	vst v63  }
0x52: {  	s24 =	simm.s32 @!p0 $0x2;
	s23 =	simm.s32 @p0 $0x6780  }
0x53: {  	[spmem:s3] =	stream.indirect.scatter.add.f32 @p0 [tilespmem:s23], [sflag:$0x3], $0x80, s21, s22, $0xb8;
	[tilespmem:$0x1F780] =	vst v63  }
0x54: {  	_ =	swait.ge @!p0 [sflag:s24], $0x2800  }
0x55: {  	[sflag:s24] =	ssyncset.done @!p0 $0x0  }
0x56: {  	s22 =	simm.s32 @!p0 $0x3;
	[sflag:s24] =	ssyncadd.s32 @!p0 $0xFFFFD800  }
0x57: {  	_ =	swait.ge @!p0 [sflag:s22], $0x2800  }
0x58: {  	[sflag:s22] =	ssyncset.done @!p0 $0x0  }
0x59: {  	s23 =	simm.s32 @!p0 $0x6780;
	s24 =	simm.s32 @!p0 $0x50;
	[sflag:s22] =	ssyncadd.s32 @!p0 $0xFFFFD800  }
0x5a: {  	[tilespmem:s23], [sflag:$0x1] =	stream.indirect.gather @!p0 [hbm4b:s1+s24], $0x80, s20, s24, $0xb8;
	[tilespmem:$0x1F780] =	vst v63  }
0x5b: {  	s20 =	simm.s32 @!p1 $0x8F80  }
0x5c: {  	[spmem:s3] =	stream.indirect.scatter.add.f32 @!p0 [tilespmem:s20], [sflag:$0x4], $0x80, s21, s24, $0xb8;
	[tilespmem:$0x1F780] =	vst v63  }
0x5d: {  	_ =	swait.ge [sflag:s17], $0x2800  }
0x5e: {  	[sflag:s17] =	ssyncset.done $0x0  }
0x5f: {  	[sflag:s17] =	ssyncadd.s32 $0xFFFFD800  }
0x60: {  	_ =	swait.ge [sflag:s18], $0x2800  }
0x61: {  	s19 =	sadd.s32 $0x1, s19;
	[sflag:s18] =	ssyncset.done $0x0  }
0x62: {  	p0 =	sne.s32 s19, s10;
	[sflag:s18] =	ssyncadd.s32 $0xFFFFD800  }
.Ltmp1:
0x63: {  	[bflag:$0x0] =	sbarrier.arrive $0xFFFF;
	(pc) =	sbr.rel @p0 .LBB2_1-.Ltmp1, $4  }
0x64: {  	[hbm:s9], [sflag:s6] =	dma.local [spmem:s11], $0x2800  }
0x65: {  	_ =	swait.ge [sflag:s12], $0x2800  }
0x66: {  	[sflag:s12] =	ssyncset.done $0x0  }
0x67: {  	[sflag:s12] =	ssyncadd.s32 $0xFFFFD800  }
0x68: {  	_ =	sfence.sel $0x180000  }
0x69: {  	[bflag:$0x0] =	sbarrier.arrive $0xFFFF  }
0x6a: {  	p0 =	sne.s32 s0, $0x0;
	_ =	strace $0x90000050  }
0x6b: {  	s0 =	sadd.s32 @!p0 $0x100000, s2;
	[bflag:$0x2] =	sbarrier.arrive $0xFFFF  }
0x6c: {  	[sflag:s0] =	ssyncadd.tile.s32 @!p0 $0x1;
	_ =	shalt  }
.Lfunc_end2:
_tile_overlayer_lowered:
.L_overlay_start_2:
0x6d: {  	(tag) =	ssettag $0x2  }
0x6e: {  	s0 =	rddreg [dreg:$0x0];
	s2 =	stileid.u32  }
0x6f: {  	s1 =	rddreg [dreg:$0x1];
	p0 =	sne.s32 s2, $0x0  }
0x70: {  	s3 =	rddreg [dreg:$0x2];
	[bflag:$0x3] =	sbarrier.arrive $0xFFFF;
	s2 =	simm.s32 @!p0 $0x1C05  }
0x71: {  	[timem:s3], [sflag:s2] =	dma.local @!p0 [hbm:s0], s1  }
0x72: {  	s0 =	simm.s32 @!p0 $0x5  }
0x73: {  	_ =	swait.ge @!p0 [sflag:s0], s1  }
0x74: {  	s1 =	ssub.s32 @!p0 $0x0, s1;
	[sflag:s0] =	ssyncset.done @!p0 $0x0  }
0x75: {  	[sflag:s0] =	ssyncadd.s32 @!p0 s1  }
0x76: {  	[bflag:$0x3] =	sbarrier.arrive $0xFFFF  }
0x77: {  	_ =	shalt  }

// kernel: kernel.9.cloned.1.call-start
scs
__scs_entry_jumppad:
0x0: {  	(pc) =	sbr.rel $0x88, $3  }
0x1: {  	(tag) =	ssettag $0x0;
	lr =	simm.s32 $0x1  }
0x2: {  	[smem:$0x3F92] =	sst lr;
	_ =	strace $0xD0000000  }
0x3: {  	_ = 	snop  }
0x4: {  	_ = 	snop  }
0x5: {  	_ = 	snop  }
0x6: {  	_ = 	snop  }
0x7: {  	_ = 	snop  }
__scs_overlays_trampoline_lowered:
0x8: {  	[smem:$0x3FA1] =	sst s0  }
0x9: {  	[smem:$0x3FA2] =	sst s1  }
0xa: {  	[smem:$0x3FA3] =	sst s2  }
0xb: {  	[smem:$0x3FA4] =	sst s3  }
0xc: {  	[smem:$0x3FA5] =	sst s4  }
0xd: {  	[smem:$0x3FA6] =	sst s5  }
0xe: {  	[smem:$0x3FA7] =	sst s6  }
0xf: {  	[smem:$0x3FA8] =	sst s7  }
0x10: {  	[smem:$0x3FA9] =	sst s8  }
0x11: {  	[smem:$0x3FAA] =	sst s9;
	s0 =	simm.s32 @!p0 $0x0  }
0x12: {  	s1 =	sld [smem:$0x3F90];
	s0 =	simm.s32 @p0 $0x1  }
0x13: {  	[smem:$0x3FAB] =	sst s0;
	s0 =	simm.s32 @!p1 $0x0  }
0x14: {  	s2 =	sld [smem:$0x3F8F];
	s0 =	simm.s32 @p1 $0x1  }
0x15: {  	[smem:$0x3FAC] =	sst s0;
	s0 =	simm.s32 @!p2 $0x0  }
0x16: {  	s3 =	sld [smem:$0x3FDB];
	s0 =	simm.s32 @p2 $0x1  }
0x17: {  	s4 =	simm.s32 $0x1BF5;
	[smem:$0x3FAE] =	sst s0  }
0x18: {  	s0 =	sld [smem:$0x3F91];
	_ =	swait.ge [sflag:s4], $0x0  }
0x19: {  	s7 =	sld [smem:$0x3F92]  }
0x1a: {  	s8 =	sadd.s32 $0xFFFFE003, lr  }
0x1b: {  	s9 =	sadd.s32 $0xFFFFFEF7, lr;
	s5 =	simm.s32 $0xFFFFFFFF;
	p2 =	slt.u32 s8, $0xFFFFF086  }
0x1c: {  	p1 =	slt.u32 s9, $0xF7A;
	s5 =	simm.s32 @!p2 $0x0  }
0x1d: {  	s5 =	simm.s32 @p1 $0x1;
	p0 =	seq.s32 s7, s2  }
0x1e: {  	s7 =	smul.u32 @!p0 $0xF7A, s2;
	p2 =	seq.s32 @!p0 s5, $0x0  }
0x1f: {  	s9 =	smul.u32 $0xF7A, s1;
	s8 =	simm.s32 @!p0 $0x1BF5;
	p2 =	por !p2, p0  }
0x20: {  	[sflag:s8] =	ssyncset.s32 @!p0 $0xFFFFF086;
	s6 =	sadd.s32 @!p0 s3, s7;
	s7 =	simm.s32 @!p0 $0x108  }
0x21: {  	s3 =	sadd.s32 s3, s9;
	s6 =	sadd.s32 @!p0 $0x88, s6;
	s7 =	simm.s32 @p2 $0x1082  }
0x22: {  	[simem:s7], [sflag:s8] =	dma.local @!p0 [hbm:s6], $0xF7A  }
0x23: {  	s9 =	sor.u32 $0xD0000000, s2;
	s6 =	simm.s32 $0x108;
	_ =	swait.ge @!p0 [sflag:s8], $0x0  }
0x24: {  	s3 =	sadd.s32 $0x88, s3;
	s6 =	simm.s32 @!p1 $0x1082;
	[sflag:s4] =	ssyncset.s32 $0xFFFFF086  }
0x25: {  	[simem:s6], [sflag:s4] =	dma.local [hbm:s3], $0xF7A  }
0x26: {  	[smem:$0x3F92] =	sst s1;
	(tag) =	ssettag s2;
	_ =	strace s9  }
0x27: {  	s1 =	sld [smem:$0x3FA2]  }
0x28: {  	s2 =	sld [smem:$0x3FA3]  }
0x29: {  	s4 =	sld [smem:$0x3FA5]  }
0x2a: {  	p0 =	seq.s32 s5, $0x0;
	s5 =	sld [smem:$0x3FA6]  }
0x2b: {  	s6 =	sld [smem:$0x3FA7]  }
0x2c: {  	s7 =	sld [smem:$0x3FA8]  }
0x2d: {  	s3 =	simm.s32 $0x108;
	s8 =	sld [smem:$0x3FA9]  }
0x2e: {  	s3 =	simm.s32 @!p0 $0x1082;
	s9 =	sld [smem:$0x3FAA]  }
0x2f: {  	lr =	sadd.s32 s0, s3;
	s0 =	sld [smem:$0x3FA1]  }
0x30: {  	s3 =	sld [smem:$0x3FA4]  }
0x31: {  	[smem:$0x3FAD] =	sst s10  }
0x32: {  	s10 =	sld [smem:$0x3FAB];
	_ =	sdelay $0x3  }
0x33: {  	p0 =	seq.s32 s10, $0x1;
	s10 =	sld [smem:$0x3FAD];
	_ =	sdelay $0x3  }
0x34: {  	[smem:$0x3FAD] =	sst s10  }
0x35: {  	s10 =	sld [smem:$0x3FAC];
	_ =	sdelay $0x3  }
0x36: {  	p1 =	seq.s32 s10, $0x1;
	s10 =	sld [smem:$0x3FAD];
	_ =	sdelay $0x3  }
0x37: {  	[smem:$0x3FAD] =	sst s10  }
0x38: {  	s10 =	sld [smem:$0x3FAE]  }
0x39: {  	_ = 	snop;
	(pc) =	sbr.ind lr, $3  }
0x3a: {  	_ = 	snop  }
0x3b: {  	_ = 	snop  }
0x3c: {  	p2 =	seq.s32 s10, $0x1;
	s10 =	sld [smem:$0x3FAD]  }
0x3d: {  	_ =	shalt  }
0x3e: {  	_ =	shalt  }
0x3f: {  	_ =	shalt  }
0x40: {  	_ =	shalt  }
0x41: {  	_ =	shalt  }
0x42: {  	_ =	shalt  }
0x43: {  	_ =	shalt  }
0x44: {  	_ =	shalt  }
0x45: {  	_ =	shalt  }
0x46: {  	_ =	shalt  }
0x47: {  	_ =	shalt  }
0x48: {  	_ =	shalt  }
0x49: {  	_ =	shalt  }
0x4a: {  	_ =	shalt  }
0x4b: {  	_ =	shalt  }
0x4c: {  	_ =	shalt  }
0x4d: {  	_ =	shalt  }
0x4e: {  	_ =	shalt  }
0x4f: {  	_ =	shalt  }
0x50: {  	_ =	shalt  }
0x51: {  	_ =	shalt  }
0x52: {  	_ =	shalt  }
0x53: {  	_ =	shalt  }
0x54: {  	_ =	shalt  }
0x55: {  	_ =	shalt  }
0x56: {  	_ =	shalt  }
0x57: {  	_ =	shalt  }
0x58: {  	_ =	shalt  }
0x59: {  	_ =	shalt  }
0x5a: {  	_ =	shalt  }
0x5b: {  	_ =	shalt  }
0x5c: {  	_ =	shalt  }
0x5d: {  	_ =	shalt  }
0x5e: {  	_ =	shalt  }
0x5f: {  	_ =	shalt  }
0x60: {  	_ =	shalt  }
0x61: {  	_ =	shalt  }
0x62: {  	_ =	shalt  }
0x63: {  	_ =	shalt  }
0x64: {  	_ =	shalt  }
0x65: {  	_ =	shalt  }
0x66: {  	_ =	shalt  }
0x67: {  	_ =	shalt  }
0x68: {  	_ =	shalt  }
0x69: {  	_ =	shalt  }
0x6a: {  	_ =	shalt  }
0x6b: {  	_ =	shalt  }
0x6c: {  	_ =	shalt  }
0x6d: {  	_ =	shalt  }
0x6e: {  	_ =	shalt  }
0x6f: {  	_ =	shalt  }
0x70: {  	_ =	shalt  }
0x71: {  	_ =	shalt  }
0x72: {  	_ =	shalt  }
0x73: {  	_ =	shalt  }
0x74: {  	_ =	shalt  }
0x75: {  	_ =	shalt  }
0x76: {  	_ =	shalt  }
0x77: {  	_ =	shalt  }
0x78: {  	_ =	shalt  }
0x79: {  	_ =	shalt  }
0x7a: {  	_ =	shalt  }
0x7b: {  	_ =	shalt  }
0x7c: {  	_ =	shalt  }
0x7d: {  	_ =	shalt  }
0x7e: {  	_ =	shalt  }
0x7f: {  	_ =	shalt  }
0x80: {  	_ =	shalt  }
0x81: {  	_ =	shalt  }
0x82: {  	_ =	shalt  }
0x83: {  	_ =	shalt  }
0x84: {  	_ =	shalt  }
0x85: {  	_ =	shalt  }
0x86: {  	_ =	shalt  }
0x87: {  	_ =	shalt  }
.Lfunc_end0:
.L_simem_size_0:
called_computation_lowered:
.L_overlay_start_0:
0x88: {  	s2 =	sld [smem:$0x3FD9]  }
0x89: {  	s3 =	sld [smem:$0x3FFE];
	_ =	sdelay $0x1  }
0x8a: {  	s1 =	srdreg.scid  }
0x8b: {  	s0 =	sand.u32 $0x1, s1  }
0x8c: {  	s17 =	sshll.u32 s0, $0xA;
	s2 =	sadd.s32 s3, s2  }
0x8d: {  	s2 =	sadd.s32 s2, s17  }
0x8e: {  	[smem:$0x3FB9] =	sst s2  }
0x8f: {  	_ = 	snop  }
0x90: {  	s2 =	sld [smem:$0x3FD0];
	(tm) =	ssettm $0x1  }
0x91: {  	s18 =	sld [smem:$0x3FFB];
	_ =	sdelay $0x3  }
0x92: {  	_ =	strace s18  }
0x93: {  	s3 =	sld [smem:$0x3FFC];
	_ =	sdelay $0x3  }
0x94: {  	_ =	strace s3  }
0x95: {  	s3 =	sld [smem:$0x3FFD];
	_ =	sdelay $0x3  }
0x96: {  	_ =	strace s3  }
0x97: {  	_ =	strace $0x8FFFFFFF  }
0x98: {  	s19 =	sld [smem:$0x3FDB];
	_ =	sdelay $0x1  }
0x99: {  	s4 =	simm.s32 $_scs_section_size  }
0x9a: {  	s5 =	simm.s32 $_size__tile_overlayer_lowered;
	s6 =	simm.s32 $_tile_overlayer_lowered  }
0x9b: {  	s22 =	simm.s32 $0x1BFF;
	s21 =	sshll.u32 s6, $0x1;
	s3 =	sadd.s32 s4, s19  }
0x9c: {  	s7 =	simm.s32 $0x0;
	s20 =	sshll.u32 s5, $0x1;
	s5 =	sadd.s32 s21, s3  }
0x9d: {  	[timem:s7], [sflag:s22] =	dma.local [hbm:s5], s20  }
0x9e: {  	_ =	swait.ge [sflag:s22], s20  }
0x9f: {  	s4 =	ssub.s32 $0x0, s20;
	[sflag:s22] =	ssyncset.done $0x0  }
0xa0: {  	[sflag:s22] =	ssyncadd.s32 s4;
	_ =	sdelay $0x1  }
0xa1: {  	s23 =	simm.s32 $0x1B8B  }
0xa2: {  	_ =	swait.ge [sflag:s23], $0x1  }
0xa3: {  	[sflag:s23] =	ssyncset.done $0x0  }
0xa4: {  	s25 =	simm.s32 $0x1B8E;
	s24 =	sld [smem:$0x3FFE];
	[sflag:s23] =	ssyncadd.s32 $0xFFFFFFFF  }
0xa5: {  	s26 =	simm.s32 $execute0_lowered;
	[smem:$0x3FD2] =	sst s25  }
0xa6: {  	s5 =	sshll.u32 s26, $0x1;
	_ =	strace $0x80000046;
	[dreg:$0x1] =	wrdreg $0xFFFFFFFF  }
0xa7: {  	s28 =	simm.s32 $_size_execute0_lowered;
	s3 =	sadd.s32 s3, s5;
	[dreg:$0x0] =	wrdreg $0x0  }
0xa8: {  	s5 =	sshll.u32 s28, $0x1;
	[dreg:$0x2] =	wrdreg s3  }
0xa9: {  	[dreg:$0x3] =	wrdreg s5  }
0xaa: {  	[dreg:$0x4] =	wrdreg $0xC0  }
0xab: {  	_ =	task [dreg:s7], $0x5FFFF  }
0xac: {  	[dreg:$0x1] =	wrdreg $0xFFFFFFFF  }
0xad: {  	[dreg:$0x0] =	wrdreg $0x60  }
0xae: {  	[dreg:$0x2] =	wrdreg s24  }
0xaf: {  	[dreg:$0x3] =	wrdreg s2  }
0xb0: {  	[dreg:$0x4] =	wrdreg $0x68000  }
0xb1: {  	[dreg:$0x5] =	wrdreg $0x9  }
0xb2: {  	_ =	task.clear_ibuf [dreg:s7], $0x6FFFF;
	_ =	strace $0x90000046  }
0xb3: {  	s29 =	simm.s32 $0x9;
	_ =	strace $0x80000048  }
0xb4: {  	_ =	swait.ge [sflag:s29], $0x1  }
0xb5: {  	[sflag:s29] =	ssyncadd.s32 $0xFFFFFFFF  }
0xb6: {  	_ =	strace $0x90000048  }
0xb7: {  	_ =	sfence  }
0xb8: {  	s30 =	sld [smem:$0x0];
	_ =	sdelay $0x2  }
0xb9: {  	s31 =	sshll.u32 s1, $0xD;
	s1 =	sshrl.u32 s1, $0x2  }
0xba: {  	s3 =	sand.u32 $0x4000, s31;
	s1 =	sadd.s32 s1, s30  }
0xbb: {  	s0 =	sor.u32 s3, s0;
	s1 =	sshll.u32 s1, $0x11  }
0xbc: {  	s0 =	sor.u32 s1, s0  }
0xbd: {  	s0 =	sadd.s32 $0x8F2B, s0  }
0xbe: {  	[sflag:s0] =	ssyncadd.remote.s32 $0x1  }
0xbf: {  	_ =	sfence.sel $0xFFFF  }
0xc0: {  	[dreg:$0x0] =	wrdreg $0xFFFFFFFF;
	(pc) =	sbr.abs _section_cstart, $3  }
0xc1: {  	[dreg:$0x1] =	wrdreg $0xFFFFFFFF  }
0xc2: {  	_ =	task.clear_ibuf [dreg:s7], $0x2FFFF;
	_ =	strace $0x9FFFFFFF  }
0xc3: {  	(tm) =	ssettm $0x7FFFFFFF  }
tec
execute0_lowered:
.L_overlay_start_1:
0x0: {  	(tag) =	ssettag $0x1  }
0x1: {  	s5 =	rddreg [dreg:$0x0]  }
0x2: {  	s2 =	rddreg [dreg:$0x1]  }
0x3: {  	s3 =	rddreg [dreg:$0x2]  }
0x4: {  	s0 =	rddreg [dreg:$0x3]  }
0x5: {  	s1 =	stileid.u32;
	s6 =	srdreg.scid  }
0x6: {  	s4 =	simm.s32 $0x0;
	s13 =	simm.s32 $0x50;
	s14 =	simm.s32 $0x0  }
0x7: {  	s7 =	smul.u32 $0x2800, s1;
	s6 =	sand.u32 $0x1, s6;
	[smem:$0x7FF] =	sst s4  }
0x8: {  	s8 =	sshll.u32 s1, $0xB;
	s10 =	smul.u32 $0x50000, s1;
	s31 =	sshll.u32 s1, $0x6  }
0x9: {  	s9 =	smul.u32 $0x28000, s6;
	_ =	strace $0x80000047;
	s8 =	sadd.s32 s8, s5  }
0xa: {  	s28 =	ssub.s32 $0x2, s6;
	s6 =	sshll.u32 s6, $0xF;
	s11 =	sadd.s32 s7, s5  }
0xb: {  	s29 =	sshrl.u32 s28, $0x1;
	s30 =	sshrl.u32 s10, $0x2;
	s8 =	sadd.s32 s6, s8  }
0xc: {  	s6 =	sor.u32 $0x1C01, s31;
	s7 =	sadd.s32 s7, s9;
	s9 =	ssub.s32 s28, s29  }
0xd: {  	s10 =	sadd.s32 s30, s3;
	s12 =	sadd.s32 s7, s5;
	s5 =	sadd.s32 $0x13800, s11  }
0xe: {  	s7 =	sadd.s32 $0x3800, s8;
	s9 =	smax.u32 s9, $0x1;
	s10 =	sshrl.u32 s10, $0x3  }
0xf: {  	s11 =	simm.s32 $0x1;
	s8 =	sadd.s32 $0x3B800, s12;
	s12 =	simm.s32 $0x4000  }
.LBB2_1:
0x10: {  	[spmem:s10], [sflag:s6] =	dma.local [hbm:s5], $0x2800  }
0x11: {  	_ =	swait.ge [sflag:s11], $0x2800  }
0x12: {  	[sflag:s11] =	ssyncset.done $0x0  }
0x13: {  	[sflag:s11] =	ssyncadd.s32 $0xFFFFD800  }
0x14: {  	[tilespmem:s12], [sflag:$0x1] =	stream.linear.gather [hbm4b:s2+s4], $0x2800, $0x38;
	[tilespmem:$0x1A800] =	vst v63  }
0x15: {  	_ =	swait.ge [sflag:s11], $0x2800  }
0x16: {  	[sflag:s11] =	ssyncset.done $0x0  }
0x17: {  	[sflag:s11] =	ssyncadd.s32 $0xFFFFD800  }
0x18: {  	[tilespmem:s4], [sflag:$0x1] =	stream.linear.gather [hbm4b:s7+s4], $0x3E80, $0x38;
	[tilespmem:$0x1A800] =	vst v63  }
0x19: {  	_ =	swait.ge [sflag:s11], $0x3E80  }
0x1a: {  	[sflag:s11] =	ssyncset.done $0x0  }
0x1b: {  	[sflag:s11] =	ssyncadd.s32 $0xFFFFC180  }
0x1c: {  	s15 =	simm.s32 $0x0;
	[bflag:$0x0] =	sbarrier.arrive $0xFFFF  }
0x1d: {  	[spmem:s3] =	stream.indirect.scatter.add.f32 [tilespmem:s12], [sflag:$0x1], $0x80, s15, s13, $0xb8;
	[tilespmem:$0x1A800] =	vst v63  }
0x1e: {  	_ =	swait.ge [sflag:s11], $0x2800  }
0x1f: {  	s15 =	simm.s32 $0x200;
	[sflag:s11] =	ssyncset.done $0x0  }
.LBB2_2:
0x20: {  	s16 =	sshra.s32 s15, $0x2;
	[sflag:s11] =	ssyncadd.s32 $0xFFFFD800;
	p0 =	sne.s32 s15, $0xF800  }
0x21: {  	[spmem:s3] =	stream.indirect.scatter.add.f32 [tilespmem:s12], [sflag:$0x1], $0x80, s16, s13, $0xb8;
	[tilespmem:$0x1A800] =	vst v63  }
.Ltmp0:
0x22: {  	_ = 	snop;
	(pc) =	sbr.rel @p0 .LBB2_2-.Ltmp0, $4  }
0x23: {  	_ = 	snop  }
0x24: {  	s15 =	sadd.s32 $0x200, s15  }
0x25: {  	_ =	swait.ge [sflag:s11], $0x2800  }
0x26: {  	[sflag:s11] =	ssyncset.done $0x0  }
0x27: {  	s14 =	sadd.s32 $0x1, s14  }
0x28: {  	[sflag:s11] =	ssyncadd.s32 $0xFFFFD800;
	p0 =	sne.s32 s14, s9  }
.Ltmp1:
0x29: {  	[bflag:$0x0] =	sbarrier.arrive $0xFFFF;
	(pc) =	sbr.rel @p0 .LBB2_1-.Ltmp1, $4  }
0x2a: {  	[hbm:s8], [sflag:s6] =	dma.local [spmem:s10], $0x2800  }
0x2b: {  	_ =	swait.ge [sflag:s11], $0x2800  }
0x2c: {  	[sflag:s11] =	ssyncset.done $0x0  }
0x2d: {  	[sflag:s11] =	ssyncadd.s32 $0xFFFFD800  }
0x2e: {  	_ =	sfence.sel $0x180000  }
0x2f: {  	[bflag:$0x0] =	sbarrier.arrive $0xFFFF  }
0x30: {  	p0 =	sne.s32 s1, $0x0;
	_ =	strace $0x90000047  }
0x31: {  	s0 =	sadd.s32 @!p0 $0x100000, s0;
	[bflag:$0x2] =	sbarrier.arrive $0xFFFF  }
0x32: {  	[sflag:s0] =	ssyncadd.tile.s32 @!p0 $0x1;
	_ =	shalt  }
.Lfunc_end2:
_tile_overlayer_lowered:
.L_overlay_start_2:
0x33: {  	(tag) =	ssettag $0x2  }
0x34: {  	s0 =	rddreg [dreg:$0x0];
	s2 =	stileid.u32  }
0x35: {  	s1 =	rddreg [dreg:$0x1];
	p0 =	sne.s32 s2, $0x0  }
0x36: {  	s3 =	rddreg [dreg:$0x2];
	[bflag:$0x3] =	sbarrier.arrive $0xFFFF;
	s2 =	simm.s32 @!p0 $0x1C01  }
0x37: {  	[timem:s3], [sflag:s2] =	dma.local @!p0 [hbm:s0], s1  }
0x38: {  	s0 =	simm.s32 @!p0 $0x1  }
0x39: {  	_ =	swait.ge @!p0 [sflag:s0], s1  }
0x3a: {  	s1 =	ssub.s32 @!p0 $0x0, s1;
	[sflag:s0] =	ssyncset.done @!p0 $0x0  }
0x3b: {  	[sflag:s0] =	ssyncadd.s32 @!p0 s1  }
0x3c: {  	[bflag:$0x3] =	sbarrier.arrive $0xFFFF  }
0x3d: {  	_ =	shalt  }

</sc_bundles>
